<compile_context>
chip_gen: v7x
topology: tpu7x:2x2x1
jax: 0.10.2.dev20260603
libtpu: 0.0.44.dev20260713+nightly
codegen_flags: <defaults>
</compile_context>

<pallas_src>
import functools
import math

import jax
import jax.numpy as jnp
from jax import lax
from jax.experimental import pallas as pl
from jax.experimental.pallas import tpu as pltpu
from jax.experimental.pallas import tpu_sc as plsc

_HD = 64
_K = 8
_EPS = 1e-8
_IMIN = -2**31
_IDXMASK = 0x3FFF
_KEYMASK = ~0x3FFF


def _norm_body(km_ref, kn_ref):
    x = km_ref[0]
    n = jnp.sqrt(jnp.sum(x * x, axis=-1, keepdims=True))
    kn_ref[0] = (x / jnp.maximum(n, _EPS)).astype(jnp.bfloat16)


def _normalize_keys(key_memories):
    H, M, D = key_memories.shape
    return pl.pallas_call(
        _norm_body,
        grid=(H,),
        in_specs=[pl.BlockSpec((1, M, D), lambda h: (h, 0, 0))],
        out_specs=pl.BlockSpec((1, M, D), lambda h: (h, 0, 0)),
        out_shape=jax.ShapeDtypeStruct((H, M, D), jnp.bfloat16),
    )(key_memories)


_SORT8 = [(0, 1), (2, 3), (4, 5), (6, 7),
          (0, 2), (1, 3), (4, 6), (5, 7),
          (1, 2), (5, 6),
          (0, 4), (1, 5), (2, 6), (3, 7),
          (2, 4), (3, 5),
          (1, 2), (3, 4), (5, 6)]
_BITONIC8 = [(0, 4), (1, 5), (2, 6), (3, 7),
             (0, 2), (1, 3), (4, 6), (5, 7),
             (0, 1), (2, 3), (4, 5), (6, 7)]
_BIAS = 0.5


def _apply_network(s, net):
    for i, j in net:
        a, b = s[i], s[j]
        s[i] = jnp.maximum(a, b)
        s[j] = jnp.minimum(a, b)
    return s


def _merge_sorted8(a, b):
    c = [jnp.maximum(a[i], b[7 - i]) for i in range(_K)]
    return _apply_network(c, _BITONIC8)


def _topk_body(q_ref, kn_ref, scores_ref, idx_ref, run_ref, *, mb, mtot, h0):
    h = pl.program_id(0)
    mt = pl.program_id(2)
    nmt = pl.num_programs(2)

    q = q_ref[0]
    scale = 1.0 / math.sqrt(_HD)
    qn = (q * scale) / jnp.maximum(
        jnp.sqrt(jnp.sum(q * q, axis=-1, keepdims=True)), _EPS)
    st = lax.dot_general(
        kn_ref[0], qn.astype(jnp.bfloat16),
        (((1,), (1,)), ((), ())),
        preferred_element_type=jnp.float32,
    )

    b = lax.bitcast_convert_type(st + _BIAS, jnp.int32)
    gidx = mt * mb + lax.broadcasted_iota(jnp.int32, st.shape, 0)
    keys = lax.bitcast_convert_type((b & _KEYMASK) | gidx, jnp.float32)

    n = mb // _K
    s = [keys[i * n:(i + 1) * n, :] for i in range(_K)]
    s = _apply_network(s, _SORT8)
    while n > 1:
        half = n // 2
        a = [x[:half, :] for x in s]
        bb = [x[half:, :] for x in s]
        s = _merge_sorted8(a, bb)
        n = half

    def emit(newrun_arr):
        ki = lax.bitcast_convert_type(newrun_arr, jnp.int32)
        val = lax.bitcast_convert_type(ki & _KEYMASK, jnp.float32)
        scores_ref[0] = val - _BIAS
        idx_ref[0] = (ki & _IDXMASK) + (h + h0) * mtot

    if mtot == mb:
        emit(jnp.concatenate(s, axis=0))
    else:
        run_old = run_ref[...]
        run = [jnp.where(mt == 0, -1.0, run_old[i:i + 1, :]) for i in range(_K)]
        newrun = _merge_sorted8(run, s)
        newrun_arr = jnp.concatenate(newrun, axis=0)
        run_ref[...] = newrun_arr

        @pl.when(mt == nmt - 1)
        def _():
            emit(newrun_arr)


def _topk(q_r, kn, h0=0, qt=256, mb=16384):
    H, Q, D = q_r.shape
    M = kn.shape[1]
    body = functools.partial(_topk_body, mb=mb, mtot=M, h0=h0)
    return pl.pallas_call(
        body,
        grid=(H, Q // qt, M // mb),
        in_specs=[
            pl.BlockSpec((1, qt, D), lambda h, q, m: (h, q, 0)),
            pl.BlockSpec((1, mb, D), lambda h, q, m: (h, m, 0)),
        ],
        out_specs=[
            pl.BlockSpec((1, _K, qt), lambda h, q, m: (h, 0, q)),
            pl.BlockSpec((1, _K, qt), lambda h, q, m: (h, 0, q)),
        ],
        out_shape=[
            jax.ShapeDtypeStruct((H, _K, Q), jnp.float32),
            jax.ShapeDtypeStruct((H, _K, Q), jnp.int32),
        ],
        scratch_shapes=[pltpu.VMEM((_K, qt), jnp.float32)],
        compiler_params=pltpu.CompilerParams(
            dimension_semantics=("arbitrary", "arbitrary", "arbitrary"),
        ),
    )(q_r, kn)


def _sc_gather(table, idx3):
    R, D = table.shape
    NW, n_chunks, CH = idx3.shape
    mesh = plsc.VectorSubcoreMesh(core_axis_name="c", subcore_axis_name="s")

    @functools.partial(
        pl.kernel,
        mesh=mesh,
        out_type=jax.ShapeDtypeStruct((NW * n_chunks * CH, D), jnp.float32),
        scratch_types=[
            pltpu.VMEM((n_chunks, CH), jnp.int32),
            pltpu.VMEM((CH, D), jnp.float32),
            pltpu.VMEM((CH, D), jnp.float32),
            pltpu.SemaphoreType.DMA,
            pltpu.SemaphoreType.DMA,
        ],
        compiler_params=pltpu.CompilerParams(use_tc_tiling_on_sc=False),
    )
    def k(table_hbm, idx_hbm, out_hbm, idx_v, rows0, rows1, sem0, sem1):
        wid = lax.axis_index("s") * 2 + lax.axis_index("c")
        base = wid * n_chunks
        pltpu.sync_copy(idx_hbm.at[wid], idx_v)
        pltpu.async_copy(table_hbm.at[idx_v.at[0]], rows0, sem0)

        def pair(i, _):
            cc0 = 2 * i
            pltpu.async_copy(table_hbm.at[idx_v.at[cc0 + 1]], rows1, sem1)
            pltpu.make_async_copy(table_hbm.at[idx_v.at[cc0]], rows0, sem0).wait()
            pltpu.sync_copy(rows0, out_hbm.at[pl.ds((base + cc0) * CH, CH)])

            @pl.when(i < n_chunks // 2 - 1)
            def _():
                pltpu.async_copy(table_hbm.at[idx_v.at[cc0 + 2]], rows0, sem0)
            pltpu.make_async_copy(table_hbm.at[idx_v.at[cc0 + 1]], rows1, sem1).wait()
            pltpu.sync_copy(rows1, out_hbm.at[pl.ds((base + cc0 + 1) * CH, CH)])
            return 0

        lax.fori_loop(0, n_chunks // 2, pair, 0)

    return k(table, idx3)


def _combine_body(gate_ref, s_ref, rows_ref, o_ref, out_ref):
    g = 1.0 / (1.0 + jnp.exp(-gate_ref[pl.program_id(0), 0]))
    wm = jnp.zeros(out_ref.shape[1:], jnp.float32)
    for j in range(_K):
        wm = wm + rows_ref[0, j] * s_ref[0, :, j:j + 1]
    out_ref[0] = g * wm + (1.0 - g) * o_ref[0]


def _combine(gate, scores, rows4, o_r, qt=512):
    H, _, Q, D = rows4.shape
    return pl.pallas_call(
        _combine_body,
        grid=(H, Q // qt),
        in_specs=[
            pl.BlockSpec((H, 1), lambda h, q: (0, 0), memory_space=pltpu.SMEM),
            pl.BlockSpec((1, qt, _K), lambda h, q: (h, q, 0)),
            pl.BlockSpec((1, _K, qt, D), lambda h, q: (h, 0, q, 0)),
            pl.BlockSpec((1, qt, D), lambda h, q: (h, q, 0)),
        ],
        out_specs=pl.BlockSpec((1, qt, D), lambda h, q: (h, q, 0)),
        out_shape=jax.ShapeDtypeStruct((H, Q, D), jnp.float32),
    )(gate.reshape(H, 1), scores, rows4, o_r)


def kernel(inputs, query, key, value, outputs, gate, key_memories, value_memories):
    B, H, S, hd = query.shape
    Q = B * S
    M = key_memories.shape[1]

    q_r = jnp.transpose(query, (1, 0, 2, 3)).reshape(H, Q, hd)
    o_r = jnp.transpose(outputs, (1, 0, 2, 3)).reshape(H, Q, hd)

    kn = _normalize_keys(key_memories)
    scores_t, idx_t = _topk(q_r, kn)
    scores = jnp.transpose(scores_t, (0, 2, 1))

    NW, CH = 32, 128
    n_chunks = (H * Q * _K) // (NW * CH)
    idx3 = idx_t.reshape(NW, n_chunks, CH)
    rows = _sc_gather(value_memories.reshape(H * M, hd), idx3)

    out = _combine(gate, scores, rows.reshape(H, _K, Q, hd), o_r)
    return jnp.transpose(out.reshape(H, B, S, hd), (1, 0, 2, 3))

# --- scband reference (transcript-rebuilt; emitter-appended) ---
"""Pipeline reference for scband-praxis-memory-40381282517139 (READ-ONLY COPY).

The authoritative reference and input builder live on the scoring server;
editing this copy changes nothing except your own understanding.
"""

import math
import jax
import jax.numpy as jnp
import numpy as np

NUM_HEADS = 16
HEAD_DIM = 64
MAX_MEMORIES = 4 * 4096
TOPK = 8
EPS = 1e-8


def _normalize(x, eps=EPS):
    # matches torch F.normalize(p=2, dim=-1, eps): x / max(||x||, eps)
    n = jnp.linalg.norm(x, axis=-1, keepdims=True)
    return x / jnp.maximum(n, eps)


def setup_inputs(seed: int = 0) -> dict:
    key = jax.random.key(seed)
    ks = jax.random.split(key, 8)
    B, S, DM = 2, 2048, 1024
    inputs = jax.random.normal(ks[0], (B, S, DM), dtype=jnp.float32)
    query = jax.random.normal(ks[1], (B, NUM_HEADS, S, HEAD_DIM), dtype=jnp.float32)
    key_t = jax.random.normal(ks[2], (B, NUM_HEADS, S, HEAD_DIM), dtype=jnp.float32)
    value = jax.random.normal(ks[3], (B, NUM_HEADS, S, HEAD_DIM), dtype=jnp.float32)
    outputs = jax.random.normal(ks[4], (B, NUM_HEADS, S, HEAD_DIM), dtype=jnp.float32)
    # learned gate parameter (init zeros as in module) and memory buffers
    gate = jnp.zeros((NUM_HEADS,), dtype=jnp.float32)
    key_memories = jax.random.normal(ks[5], (NUM_HEADS, MAX_MEMORIES, HEAD_DIM), dtype=jnp.float32) * 0.02
    value_memories = jax.random.normal(ks[6], (NUM_HEADS, MAX_MEMORIES, HEAD_DIM), dtype=jnp.float32) * 0.02
    return {
        'inputs': inputs,
        'query': query,
        'key': key_t,
        'value': value,
        'outputs': outputs,
        'gate': gate,
        'key_memories': key_memories,
        'value_memories': value_memories,
    }


def reference(inputs, query, key, value, outputs, gate, key_memories, value_memories):
    B, S, _ = inputs.shape
    H = query.shape[1]
    hd = HEAD_DIM
    mult = query.shape[-1] // hd  # 1 (non-differential)
    # reshape to (heads, batch*seq, dim) as in torch view/transpose/reshape
    q = jnp.transpose(query, (1, 0, 2, 3)).reshape(H, B * S, hd * mult)
    # KNN lookup (detached in original module)
    qn = _normalize(jax.lax.stop_gradient(q))
    kn = _normalize(jax.lax.stop_gradient(key_memories))
    sims = jnp.einsum('hqd,hmd->hqm', qn, kn) / math.sqrt(hd)
    k_eff = min(TOPK, key_memories.shape[1])
    scores_mem, indices_mem = jax.lax.top_k(sims, k_eff)  # [H, Q, k]
    scores_mem = jax.lax.stop_gradient(scores_mem)
    # gather values per head (no grad in original module)
    gathered = jax.vmap(lambda vm, ix: vm[ix])(jax.lax.stop_gradient(value_memories), indices_mem)  # [H, Q, k, hd]
    weighted_memory = gathered * scores_mem[..., None]
    weighted_memory = weighted_memory.sum(axis=2)  # [H, Q, hd]
    weighted_memory = weighted_memory.reshape(H, B, S, hd)
    weighted_memory = jnp.transpose(weighted_memory, (1, 0, 2, 3))  # [B, H, S, hd]
    g = jax.nn.sigmoid(gate).reshape(1, H, 1, 1)
    output_dim = outputs.shape[-1]
    weighted_memory = weighted_memory[..., :output_dim]
    combined_output = g * weighted_memory + (1.0 - g) * outputs
    # NOTE: the torch module also performs an in-place, data-dependent memory
    # update (_update_memory) under no_grad; it is a stateful side-effect that
    # does not influence the returned output, so it is omitted here.
    return combined_output

if __name__ == "__main__":
    import jax
    _d = setup_inputs()
    print(jax.jit(kernel)(*tuple(_d.values())))

</pallas_src>

<mosaic_0001>
#map = affine_map<(d0, d1) -> (0, 0)>
#map1 = affine_map<(d0, d1) -> (0, 0, 0)>
module attributes {stable_mosaic.version = 14 : i64} {
  func.func @k(%arg0: i32, %arg1: i32, %arg2: memref<262144x64xf32, #tpu.memory_space<hbm>>, %arg3: memref<32x128x128xi32, #tpu.memory_space<hbm>>, %arg4: memref<524288x64xf32, #tpu.memory_space<hbm>>, %arg5: memref<128x128xi32, #tpu.memory_space<vmem>>, %arg6: memref<128x64xf32, #tpu.memory_space<vmem>>, %arg7: memref<128x64xf32, #tpu.memory_space<vmem>>, %arg8: memref<!tpu.dma_semaphore, #tpu.memory_space<semaphore_mem>>, %arg9: memref<!tpu.dma_semaphore, #tpu.memory_space<semaphore_mem>>) attributes {dimension_semantics = [#tpu.dimension_semantics<core_parallel>, #tpu.dimension_semantics<subcore_parallel>], iteration_bounds = array<i64: 2, 16>, scalar_prefetch = 0 : i64, scratch_operands = 5 : i64, tpu.core_type = #tpu.core_type<sc_vector_subcore>, window_params = [{transform_indices = #map}, {transform_indices = #map1}, {transform_indices = #map}]} {
    %mul3A = arith.constant 2 : i32
    %mul3A_0 = arith.muli %arg1, %mul3A : i32
    %add3A = arith.addi %mul3A_0, %arg0 : i32
    %mul3A_1 = arith.constant 128 : i32
    %mul3A_2 = arith.muli %add3A, %mul3A_1 : i32
    "tpu.region"() ({
      %run_scoped3A = tpu.sem_alloc : memref<!tpu.dma_semaphore, #tpu.memory_space<semaphore_mem>>
      %dma_start3A_15 = arith.constant 0 : i32
      %dma_start3A_16 = arith.constant 0 : i32
      %dma_start3A_17 = tpu.memref_slice %arg3[%add3A, %dma_start3A_15, %dma_start3A_16] : memref<32x128x128xi32, #tpu.memory_space<hbm>> -> memref<1x128x128xi32, #tpu.memory_space<hbm>>
      %dma_start3A_18 = tpu.memref_squeeze %dma_start3A_17 : memref<1x128x128xi32, #tpu.memory_space<hbm>> -> memref<128x128xi32, #tpu.memory_space<hbm>>
      %dma_start3A_19 = arith.constant 0 : i32
      %dma_start3A_20 = arith.constant 0 : i32
      %dma_start3A_21 = tpu.memref_slice %arg3[%add3A, %dma_start3A_19, %dma_start3A_20] : memref<32x128x128xi32, #tpu.memory_space<hbm>> -> memref<1x128x128xi32, #tpu.memory_space<hbm>>
      %dma_start3A_22 = tpu.memref_squeeze %dma_start3A_21 : memref<1x128x128xi32, #tpu.memory_space<hbm>> -> memref<128x128xi32, #tpu.memory_space<hbm>>
      tpu.enqueue_dma source(%dma_start3A_22 : memref<128x128xi32, #tpu.memory_space<hbm>>) target(%arg5 : memref<128x128xi32, #tpu.memory_space<vmem>>) target_semaphore(%run_scoped3A : memref<!tpu.dma_semaphore, #tpu.memory_space<semaphore_mem>>)
      %dma_wait3A = arith.constant 0 : i32
      %dma_wait3A_23 = arith.constant 0 : i32
      %dma_wait3A_24 = tpu.memref_slice %arg3[%add3A, %dma_wait3A, %dma_wait3A_23] : memref<32x128x128xi32, #tpu.memory_space<hbm>> -> memref<1x128x128xi32, #tpu.memory_space<hbm>>
      %dma_wait3A_25 = tpu.memref_squeeze %dma_wait3A_24 : memref<1x128x128xi32, #tpu.memory_space<hbm>> -> memref<128x128xi32, #tpu.memory_space<hbm>>
      %dma_wait3A_26 = arith.constant 0 : i32
      %dma_wait3A_27 = arith.constant 0 : i32
      %dma_wait3A_28 = tpu.memref_slice %arg3[%add3A, %dma_wait3A_26, %dma_wait3A_27] : memref<32x128x128xi32, #tpu.memory_space<hbm>> -> memref<1x128x128xi32, #tpu.memory_space<hbm>>
      %dma_wait3A_29 = tpu.memref_squeeze %dma_wait3A_28 : memref<1x128x128xi32, #tpu.memory_space<hbm>> -> memref<128x128xi32, #tpu.memory_space<hbm>>
      tpu.wait_dma2 semaphore(%run_scoped3A : memref<!tpu.dma_semaphore, #tpu.memory_space<semaphore_mem>>) src(%dma_wait3A_29 : memref<128x128xi32, #tpu.memory_space<hbm>>) dst(%arg5 : memref<128x128xi32, #tpu.memory_space<vmem>>)
      tpu.yield
    }) : () -> ()
    %dma_start3A = arith.constant 0 : i32
    %dma_start3A_3 = arith.constant 0 : i32
    %dma_start3A_4 = tpu.memref_slice %arg5[%dma_start3A, %dma_start3A_3] : memref<128x128xi32, #tpu.memory_space<vmem>> -> memref<1x128xi32, #tpu.memory_space<vmem>>
    %dma_start3A_5 = tpu.memref_squeeze %dma_start3A_4 : memref<1x128xi32, #tpu.memory_space<vmem>> -> memref<128xi32, #tpu.memory_space<vmem>>
    %dma_start3A_6 = arith.constant 0 : i32
    %dma_start3A_7 = arith.constant 0 : i32
    %dma_start3A_8 = tpu.memref_slice %arg2[%dma_start3A_6, %dma_start3A_7] : memref<262144x64xf32, #tpu.memory_space<hbm>> -> memref<262144x64xf32, #tpu.memory_space<hbm>>
    tpu.enqueue_indirect_dma source(%dma_start3A_8 : memref<262144x64xf32, #tpu.memory_space<hbm>>) target(%arg6 : memref<128x64xf32, #tpu.memory_space<vmem>>) offsets(%dma_start3A_5 : memref<128xi32, #tpu.memory_space<vmem>>) semaphore(%arg8 : memref<!tpu.dma_semaphore, #tpu.memory_space<semaphore_mem>>)
    %scan3A = arith.constant 0 : i32
    %scan3A_9 = arith.constant 0 : i32
    %scan3A_10 = arith.constant 64 : i32
    %scan3A_11 = arith.addi %scan3A_9, %scan3A_10 : i32
    %scan3A_12 = arith.constant 1 : i32
    %scan3A_13 = scf.for %scan3A_15 = %scan3A_9 to %scan3A_11 step %scan3A_12 iter_args(%scan3A_16 = %scan3A) -> (i32)  : i32 {
      %mul3A_17 = arith.constant 2 : i32
      %mul3A_18 = arith.muli %mul3A_17, %scan3A_15 : i32
      %add3A_19 = arith.constant 1 : i32
      %add3A_20 = arith.addi %mul3A_18, %add3A_19 : i32
      %dma_start3A_21 = arith.constant 0 : i32
      %dma_start3A_22 = tpu.memref_slice %arg5[%add3A_20, %dma_start3A_21] : memref<128x128xi32, #tpu.memory_space<vmem>> -> memref<1x128xi32, #tpu.memory_space<vmem>>
      %dma_start3A_23 = tpu.memref_squeeze %dma_start3A_22 : memref<1x128xi32, #tpu.memory_space<vmem>> -> memref<128xi32, #tpu.memory_space<vmem>>
      %dma_start3A_24 = arith.constant 0 : i32
      %dma_start3A_25 = arith.constant 0 : i32
      %dma_start3A_26 = tpu.memref_slice %arg2[%dma_start3A_24, %dma_start3A_25] : memref<262144x64xf32, #tpu.memory_space<hbm>> -> memref<262144x64xf32, #tpu.memory_space<hbm>>
      tpu.enqueue_indirect_dma source(%dma_start3A_26 : memref<262144x64xf32, #tpu.memory_space<hbm>>) target(%arg7 : memref<128x64xf32, #tpu.memory_space<vmem>>) offsets(%dma_start3A_23 : memref<128xi32, #tpu.memory_space<vmem>>) semaphore(%arg9 : memref<!tpu.dma_semaphore, #tpu.memory_space<semaphore_mem>>)
      %dma_wait3A = arith.constant 0 : i32
      %dma_wait3A_27 = tpu.memref_slice %arg5[%mul3A_18, %dma_wait3A] : memref<128x128xi32, #tpu.memory_space<vmem>> -> memref<1x128xi32, #tpu.memory_space<vmem>>
      %dma_wait3A_28 = tpu.memref_squeeze %dma_wait3A_27 : memref<1x128xi32, #tpu.memory_space<vmem>> -> memref<128xi32, #tpu.memory_space<vmem>>
      %dma_wait3A_29 = arith.constant 0 : i32
      %dma_wait3A_30 = arith.constant 0 : i32
      %dma_wait3A_31 = tpu.memref_slice %arg2[%dma_wait3A_29, %dma_wait3A_30] : memref<262144x64xf32, #tpu.memory_space<hbm>> -> memref<262144x64xf32, #tpu.memory_space<hbm>>
      tpu.wait_indirect_dma semaphore(%arg8 : memref<!tpu.dma_semaphore, #tpu.memory_space<semaphore_mem>>) src(%dma_wait3A_31 : memref<262144x64xf32, #tpu.memory_space<hbm>>) dst(%arg6 : memref<128x64xf32, #tpu.memory_space<vmem>>)
      %add3A_32 = arith.addi %mul3A_2, %mul3A_18 : i32
      %mul3A_33 = arith.constant 128 : i32
      %mul3A_34 = arith.muli %add3A_32, %mul3A_33 : i32
      "tpu.region"() ({
        %run_scoped3A = tpu.sem_alloc : memref<!tpu.dma_semaphore, #tpu.memory_space<semaphore_mem>>
        %dma_start3A_51 = arith.constant 0 : i32
        %dma_start3A_52 = tpu.memref_slice %arg4[%mul3A_34, %dma_start3A_51] : memref<524288x64xf32, #tpu.memory_space<hbm>> -> memref<128x64xf32, #tpu.memory_space<hbm>>
        %dma_start3A_53 = arith.constant 0 : i32
        %dma_start3A_54 = tpu.memref_slice %arg4[%mul3A_34, %dma_start3A_53] : memref<524288x64xf32, #tpu.memory_space<hbm>> -> memref<128x64xf32, #tpu.memory_space<hbm>>
        tpu.enqueue_dma source(%arg6 : memref<128x64xf32, #tpu.memory_space<vmem>>) target(%dma_start3A_54 : memref<128x64xf32, #tpu.memory_space<hbm>>) target_semaphore(%run_scoped3A : memref<!tpu.dma_semaphore, #tpu.memory_space<semaphore_mem>>)
        %dma_wait3A_55 = arith.constant 0 : i32
        %dma_wait3A_56 = tpu.memref_slice %arg4[%mul3A_34, %dma_wait3A_55] : memref<524288x64xf32, #tpu.memory_space<hbm>> -> memref<128x64xf32, #tpu.memory_space<hbm>>
        %dma_wait3A_57 = arith.constant 0 : i32
        %dma_wait3A_58 = tpu.memref_slice %arg4[%mul3A_34, %dma_wait3A_57] : memref<524288x64xf32, #tpu.memory_space<hbm>> -> memref<128x64xf32, #tpu.memory_space<hbm>>
        tpu.wait_dma2 semaphore(%run_scoped3A : memref<!tpu.dma_semaphore, #tpu.memory_space<semaphore_mem>>) src(%arg6 : memref<128x64xf32, #tpu.memory_space<vmem>>) dst(%dma_wait3A_58 : memref<128x64xf32, #tpu.memory_space<hbm>>)
        tpu.yield
      }) : () -> ()
      %lt3A = arith.constant 63 : i32
      %lt3A_35 = arith.cmpi slt, %scan3A_15, %lt3A : i32
      %convert_element_type3A = arith.extui %lt3A_35 : i1 to i32
      %cond3A = arith.constant 0 : i32
      %cond3A_36 = arith.cmpi ne, %convert_element_type3A, %cond3A : i32
      scf.if %cond3A_36 {
        %add3A_51 = arith.constant 2 : i32
        %add3A_52 = arith.addi %mul3A_18, %add3A_51 : i32
        %dma_start3A_53 = arith.constant 0 : i32
        %dma_start3A_54 = tpu.memref_slice %arg5[%add3A_52, %dma_start3A_53] : memref<128x128xi32, #tpu.memory_space<vmem>> -> memref<1x128xi32, #tpu.memory_space<vmem>>
        %dma_start3A_55 = tpu.memref_squeeze %dma_start3A_54 : memref<1x128xi32, #tpu.memory_space<vmem>> -> memref<128xi32, #tpu.memory_space<vmem>>
        %dma_start3A_56 = arith.constant 0 : i32
        %dma_start3A_57 = arith.constant 0 : i32
        %dma_start3A_58 = tpu.memref_slice %arg2[%dma_start3A_56, %dma_start3A_57] : memref<262144x64xf32, #tpu.memory_space<hbm>> -> memref<262144x64xf32, #tpu.memory_space<hbm>>
        tpu.enqueue_indirect_dma source(%dma_start3A_58 : memref<262144x64xf32, #tpu.memory_space<hbm>>) target(%arg6 : memref<128x64xf32, #tpu.memory_space<vmem>>) offsets(%dma_start3A_55 : memref<128xi32, #tpu.memory_space<vmem>>) semaphore(%arg8 : memref<!tpu.dma_semaphore, #tpu.memory_space<semaphore_mem>>)
      } else {
      }
      %add3A_37 = arith.constant 1 : i32
      %add3A_38 = arith.addi %mul3A_18, %add3A_37 : i32
      %dma_wait3A_39 = arith.constant 0 : i32
      %dma_wait3A_40 = tpu.memref_slice %arg5[%add3A_38, %dma_wait3A_39] : memref<128x128xi32, #tpu.memory_space<vmem>> -> memref<1x128xi32, #tpu.memory_space<vmem>>
      %dma_wait3A_41 = tpu.memref_squeeze %dma_wait3A_40 : memref<1x128xi32, #tpu.memory_space<vmem>> -> memref<128xi32, #tpu.memory_space<vmem>>
      %dma_wait3A_42 = arith.constant 0 : i32
      %dma_wait3A_43 = arith.constant 0 : i32
      %dma_wait3A_44 = tpu.memref_slice %arg2[%dma_wait3A_42, %dma_wait3A_43] : memref<262144x64xf32, #tpu.memory_space<hbm>> -> memref<262144x64xf32, #tpu.memory_space<hbm>>
      tpu.wait_indirect_dma semaphore(%arg9 : memref<!tpu.dma_semaphore, #tpu.memory_space<semaphore_mem>>) src(%dma_wait3A_44 : memref<262144x64xf32, #tpu.memory_space<hbm>>) dst(%arg7 : memref<128x64xf32, #tpu.memory_space<vmem>>)
      %add3A_45 = arith.addi %mul3A_2, %mul3A_18 : i32
      %add3A_46 = arith.constant 1 : i32
      %add3A_47 = arith.addi %add3A_45, %add3A_46 : i32
      %mul3A_48 = arith.constant 128 : i32
      %mul3A_49 = arith.muli %add3A_47, %mul3A_48 : i32
      "tpu.region"() ({
        %run_scoped3A = tpu.sem_alloc : memref<!tpu.dma_semaphore, #tpu.memory_space<semaphore_mem>>
        %dma_start3A_51 = arith.constant 0 : i32
        %dma_start3A_52 = tpu.memref_slice %arg4[%mul3A_49, %dma_start3A_51] : memref<524288x64xf32, #tpu.memory_space<hbm>> -> memref<128x64xf32, #tpu.memory_space<hbm>>
        %dma_start3A_53 = arith.constant 0 : i32
        %dma_start3A_54 = tpu.memref_slice %arg4[%mul3A_49, %dma_start3A_53] : memref<524288x64xf32, #tpu.memory_space<hbm>> -> memref<128x64xf32, #tpu.memory_space<hbm>>
        tpu.enqueue_dma source(%arg7 : memref<128x64xf32, #tpu.memory_space<vmem>>) target(%dma_start3A_54 : memref<128x64xf32, #tpu.memory_space<hbm>>) target_semaphore(%run_scoped3A : memref<!tpu.dma_semaphore, #tpu.memory_space<semaphore_mem>>)
        %dma_wait3A_55 = arith.constant 0 : i32
        %dma_wait3A_56 = tpu.memref_slice %arg4[%mul3A_49, %dma_wait3A_55] : memref<524288x64xf32, #tpu.memory_space<hbm>> -> memref<128x64xf32, #tpu.memory_space<hbm>>
        %dma_wait3A_57 = arith.constant 0 : i32
        %dma_wait3A_58 = tpu.memref_slice %arg4[%mul3A_49, %dma_wait3A_57] : memref<524288x64xf32, #tpu.memory_space<hbm>> -> memref<128x64xf32, #tpu.memory_space<hbm>>
        tpu.wait_dma2 semaphore(%run_scoped3A : memref<!tpu.dma_semaphore, #tpu.memory_space<semaphore_mem>>) src(%arg7 : memref<128x64xf32, #tpu.memory_space<vmem>>) dst(%dma_wait3A_58 : memref<128x64xf32, #tpu.memory_space<hbm>>)
        tpu.yield
      }) : () -> ()
      %scan3A_50 = arith.constant 0 : i32
      scf.yield %scan3A_50 : i32
    }
    %scan3A_14 = arith.constant 64 : i32
    return
  }
}

module attributes {stable_mosaic.version = 14 : i64} {
  func.func @_norm_body(%arg0: i32, %arg1: memref<1x16384x64xf32, #tpu.memory_space<vmem>>, %arg2: memref<1x16384x64xbf16, #tpu.memory_space<vmem>>) attributes {dimension_semantics = [#tpu.dimension_semantics<arbitrary>], iteration_bounds = array<i64: 16>, scalar_prefetch = 0 : i64, scratch_operands = 0 : i64, tpu.core_type = #tpu.core_type<tc>, window_params = [{transform_indices = @transform_0, window_bounds = array<i64: 1, 16384, 64>}, {transform_indices = @transform_1, window_bounds = array<i64: 1, 16384, 64>}]} {
    %get3A = arith.constant 0 : index
    %get3A_0 = arith.constant 0 : index
    %get3A_1 = arith.constant 0 : index
    %get3A_2 = vector.load %arg1[%get3A, %get3A_0, %get3A_1] : memref<1x16384x64xf32, #tpu.memory_space<vmem>>, vector<1x16384x64xf32>
    %get3A_3 = vector.shape_cast %get3A_2 : vector<1x16384x64xf32> to vector<16384x64xf32>
    %mul3A = arith.mulf %get3A_3, %get3A_3 : vector<16384x64xf32>
    %reduce_sum3A = arith.constant dense<0.000000e+00> : vector<16384xf32>
    %reduce_sum3A_4 = vector.multi_reduction <add>, %mul3A, %reduce_sum3A [1] : vector<16384x64xf32> to vector<16384xf32>
    %broadcast_in_dim3A = vector.shape_cast %reduce_sum3A_4 : vector<16384xf32> to vector<16384x1xf32>
    %sqrt3A = math.sqrt %broadcast_in_dim3A : vector<16384x1xf32>
    %max3A = arith.constant 9.99999993E-9 : f32
    %max3A_5 = vector.broadcast %max3A : f32 to vector<16384x1xf32>
    %max3A_6 = arith.maximumf %sqrt3A, %max3A_5 : vector<16384x1xf32>
    %div3A = vector.broadcast %max3A_6 : vector<16384x1xf32> to vector<16384x64xf32>
    %div3A_7 = arith.divf %get3A_3, %div3A : vector<16384x64xf32>
    %convert_element_type3A = arith.truncf %div3A_7 : vector<16384x64xf32> to vector<16384x64xbf16>
    %swap3A = arith.constant 0 : index
    %swap3A_8 = arith.constant 0 : index
    %swap3A_9 = arith.constant 0 : index
    %swap3A_10 = vector.load %arg2[%swap3A, %swap3A_8, %swap3A_9] : memref<1x16384x64xbf16, #tpu.memory_space<vmem>>, vector<1x16384x64xbf16>
    %swap3A_11 = vector.shape_cast %swap3A_10 : vector<1x16384x64xbf16> to vector<16384x64xbf16>
    %swap3A_12 = vector.shape_cast %convert_element_type3A : vector<16384x64xbf16> to vector<1x16384x64xbf16>
    tpu.vector_store %arg2[%swap3A, %swap3A_8, %swap3A_9], %swap3A_12 {strides = array<i32>} : memref<1x16384x64xbf16, #tpu.memory_space<vmem>>, vector<1x16384x64xbf16>,
    return
  }
  func.func @transform_0(%arg0: i32) -> (i32, i32, i32) {
    %c0_i32 = arith.constant 0 : i32
    %c0_i32_0 = arith.constant 0 : i32
    %c0_i32_1 = arith.constant 0 : i32
    return %arg0, %c0_i32, %c0_i32_0 : i32, i32, i32
  }
  func.func @transform_1(%arg0: i32) -> (i32, i32, i32) {
    %c0_i32 = arith.constant 0 : i32
    %c0_i32_0 = arith.constant 0 : i32
    %c0_i32_1 = arith.constant 0 : i32
    return %arg0, %c0_i32, %c0_i32_0 : i32, i32, i32
  }
}

module attributes {stable_mosaic.version = 14 : i64} {
  func.func @_topk_body(%arg0: i32, %arg1: i32, %arg2: i32, %arg3: memref<1x256x64xf32, #tpu.memory_space<vmem>>, %arg4: memref<1x16384x64xbf16, #tpu.memory_space<vmem>>, %arg5: memref<1x8x256xf32, #tpu.memory_space<vmem>>, %arg6: memref<1x8x256xi32, #tpu.memory_space<vmem>>, %arg7: memref<8x256xf32, #tpu.memory_space<vmem>>) attributes {dimension_semantics = [#tpu.dimension_semantics<arbitrary>, #tpu.dimension_semantics<arbitrary>, #tpu.dimension_semantics<arbitrary>], iteration_bounds = array<i64: 16, 16, 1>, scalar_prefetch = 0 : i64, scratch_operands = 1 : i64, tpu.core_type = #tpu.core_type<tc>, window_params = [{transform_indices = @transform_0, window_bounds = array<i64: 1, 256, 64>}, {transform_indices = @transform_1, window_bounds = array<i64: 1, 16384, 64>}, {transform_indices = @transform_2, window_bounds = array<i64: 1, 8, 256>}, {transform_indices = @transform_3, window_bounds = array<i64: 1, 8, 256>}]} {
    %get3A = arith.constant 0 : index
    %get3A_0 = arith.constant 0 : index
    %get3A_1 = arith.constant 0 : index
    %get3A_2 = vector.load %arg3[%get3A, %get3A_0, %get3A_1] : memref<1x256x64xf32, #tpu.memory_space<vmem>>, vector<1x256x64xf32>
    %get3A_3 = vector.shape_cast %get3A_2 : vector<1x256x64xf32> to vector<256x64xf32>
    %mul3A = arith.constant 1.250000e-01 : f32
    %mul3A_4 = vector.broadcast %mul3A : f32 to vector<256x64xf32>
    %mul3A_5 = arith.mulf %get3A_3, %mul3A_4 : vector<256x64xf32>
    %mul3A_6 = arith.mulf %get3A_3, %get3A_3 : vector<256x64xf32>
    %reduce_sum3A = arith.constant dense<0.000000e+00> : vector<256xf32>
    %reduce_sum3A_7 = vector.multi_reduction <add>, %mul3A_6, %reduce_sum3A [1] : vector<256x64xf32> to vector<256xf32>
    %broadcast_in_dim3A = vector.shape_cast %reduce_sum3A_7 : vector<256xf32> to vector<256x1xf32>
    %sqrt3A = math.sqrt %broadcast_in_dim3A : vector<256x1xf32>
    %max3A = arith.constant 9.99999993E-9 : f32
    %max3A_8 = vector.broadcast %max3A : f32 to vector<256x1xf32>
    %max3A_9 = arith.maximumf %sqrt3A, %max3A_8 : vector<256x1xf32>
    %div3A = vector.broadcast %max3A_9 : vector<256x1xf32> to vector<256x64xf32>
    %div3A_10 = arith.divf %mul3A_5, %div3A : vector<256x64xf32>
    %get3A_11 = arith.constant 0 : index
    %get3A_12 = arith.constant 0 : index
    %get3A_13 = arith.constant 0 : index
    %get3A_14 = vector.load %arg4[%get3A_11, %get3A_12, %get3A_13] : memref<1x16384x64xbf16, #tpu.memory_space<vmem>>, vector<1x16384x64xbf16>
    %get3A_15 = vector.shape_cast %get3A_14 : vector<1x16384x64xbf16> to vector<16384x64xbf16>
    %convert_element_type3A = arith.truncf %div3A_10 : vector<256x64xf32> to vector<256x64xbf16>
    %dot_general3A = arith.constant dense<0.000000e+00> : vector<16384x256xf32>
    %dot_general3A_16 = tpu.matmul %get3A_15, %convert_element_type3A, %dot_general3A {dimension_numbers = #tpu.dot_dimension_numbers<[1], [1], [0], [0], [0, 0, 1, 0], [], []>, transpose_lhs_hint = false} : vector<16384x64xbf16>, vector<256x64xbf16>, vector<16384x256xf32> -> vector<16384x256xf32>
    %add3A = arith.constant 5.000000e-01 : f32
    %add3A_17 = vector.broadcast %add3A : f32 to vector<16384x256xf32>
    %add3A_18 = arith.addf %dot_general3A_16, %add3A_17 : vector<16384x256xf32>
    %bitcast_convert_type3A = tpu.bitcast %add3A_18 : vector<16384x256xf32> -> vector<16384x256xi32>
    %mul3A_19 = arith.constant 16384 : i32
    %mul3A_20 = arith.muli %arg2, %mul3A_19 : i32
    %iota3A = tpu.iota {dimensions = array<i32: 0>} : vector<16384x256xi32>
    %add3A_21 = vector.broadcast %mul3A_20 : i32 to vector<16384x256xi32>
    %add3A_22 = arith.addi %add3A_21, %iota3A : vector<16384x256xi32>
    %and3A = arith.constant -16384 : i32
    %and3A_23 = vector.broadcast %and3A : i32 to vector<16384x256xi32>
    %and3A_24 = arith.andi %bitcast_convert_type3A, %and3A_23 : vector<16384x256xi32>
    %or3A = arith.ori %and3A_24, %add3A_22 : vector<16384x256xi32>
    %bitcast_convert_type3A_25 = tpu.bitcast %or3A : vector<16384x256xi32> -> vector<16384x256xf32>
    %slice3A = vector.extract_strided_slice %bitcast_convert_type3A_25 {offsets = [0, 0], sizes = [2048, 256], strides = [1, 1]} : vector<16384x256xf32> to vector<2048x256xf32>
    %slice3A_26 = vector.extract_strided_slice %bitcast_convert_type3A_25 {offsets = [2048, 0], sizes = [2048, 256], strides = [1, 1]} : vector<16384x256xf32> to vector<2048x256xf32>
    %slice3A_27 = vector.extract_strided_slice %bitcast_convert_type3A_25 {offsets = [4096, 0], sizes = [2048, 256], strides = [1, 1]} : vector<16384x256xf32> to vector<2048x256xf32>
    %slice3A_28 = vector.extract_strided_slice %bitcast_convert_type3A_25 {offsets = [6144, 0], sizes = [2048, 256], strides = [1, 1]} : vector<16384x256xf32> to vector<2048x256xf32>
    %slice3A_29 = vector.extract_strided_slice %bitcast_convert_type3A_25 {offsets = [8192, 0], sizes = [2048, 256], strides = [1, 1]} : vector<16384x256xf32> to vector<2048x256xf32>
    %slice3A_30 = vector.extract_strided_slice %bitcast_convert_type3A_25 {offsets = [10240, 0], sizes = [2048, 256], strides = [1, 1]} : vector<16384x256xf32> to vector<2048x256xf32>
    %slice3A_31 = vector.extract_strided_slice %bitcast_convert_type3A_25 {offsets = [12288, 0], sizes = [2048, 256], strides = [1, 1]} : vector<16384x256xf32> to vector<2048x256xf32>
    %slice3A_32 = vector.extract_strided_slice %bitcast_convert_type3A_25 {offsets = [14336, 0], sizes = [2048, 256], strides = [1, 1]} : vector<16384x256xf32> to vector<2048x256xf32>
    %max3A_33 = arith.maximumf %slice3A, %slice3A_26 : vector<2048x256xf32>
    %min3A = arith.minimumf %slice3A, %slice3A_26 : vector<2048x256xf32>
    %max3A_34 = arith.maximumf %slice3A_27, %slice3A_28 : vector<2048x256xf32>
    %min3A_35 = arith.minimumf %slice3A_27, %slice3A_28 : vector<2048x256xf32>
    %max3A_36 = arith.maximumf %slice3A_29, %slice3A_30 : vector<2048x256xf32>
    %min3A_37 = arith.minimumf %slice3A_29, %slice3A_30 : vector<2048x256xf32>
    %max3A_38 = arith.maximumf %slice3A_31, %slice3A_32 : vector<2048x256xf32>
    %min3A_39 = arith.minimumf %slice3A_31, %slice3A_32 : vector<2048x256xf32>
    %max3A_40 = arith.maximumf %max3A_33, %max3A_34 : vector<2048x256xf32>
    %min3A_41 = arith.minimumf %max3A_33, %max3A_34 : vector<2048x256xf32>
    %max3A_42 = arith.maximumf %min3A, %min3A_35 : vector<2048x256xf32>
    %min3A_43 = arith.minimumf %min3A, %min3A_35 : vector<2048x256xf32>
    %max3A_44 = arith.maximumf %max3A_36, %max3A_38 : vector<2048x256xf32>
    %min3A_45 = arith.minimumf %max3A_36, %max3A_38 : vector<2048x256xf32>
    %max3A_46 = arith.maximumf %min3A_37, %min3A_39 : vector<2048x256xf32>
    %min3A_47 = arith.minimumf %min3A_37, %min3A_39 : vector<2048x256xf32>
    %max3A_48 = arith.maximumf %max3A_42, %min3A_41 : vector<2048x256xf32>
    %min3A_49 = arith.minimumf %max3A_42, %min3A_41 : vector<2048x256xf32>
    %max3A_50 = arith.maximumf %max3A_46, %min3A_45 : vector<2048x256xf32>
    %min3A_51 = arith.minimumf %max3A_46, %min3A_45 : vector<2048x256xf32>
    %max3A_52 = arith.maximumf %max3A_40, %max3A_44 : vector<2048x256xf32>
    %min3A_53 = arith.minimumf %max3A_40, %max3A_44 : vector<2048x256xf32>
    %max3A_54 = arith.maximumf %max3A_48, %max3A_50 : vector<2048x256xf32>
    %min3A_55 = arith.minimumf %max3A_48, %max3A_50 : vector<2048x256xf32>
    %max3A_56 = arith.maximumf %min3A_49, %min3A_51 : vector<2048x256xf32>
    %min3A_57 = arith.minimumf %min3A_49, %min3A_51 : vector<2048x256xf32>
    %max3A_58 = arith.maximumf %min3A_43, %min3A_47 : vector<2048x256xf32>
    %min3A_59 = arith.minimumf %min3A_43, %min3A_47 : vector<2048x256xf32>
    %max3A_60 = arith.maximumf %max3A_56, %min3A_53 : vector<2048x256xf32>
    %min3A_61 = arith.minimumf %max3A_56, %min3A_53 : vector<2048x256xf32>
    %max3A_62 = arith.maximumf %max3A_58, %min3A_55 : vector<2048x256xf32>
    %min3A_63 = arith.minimumf %max3A_58, %min3A_55 : vector<2048x256xf32>
    %max3A_64 = arith.maximumf %max3A_54, %max3A_60 : vector<2048x256xf32>
    %min3A_65 = arith.minimumf %max3A_54, %max3A_60 : vector<2048x256xf32>
    %max3A_66 = arith.maximumf %max3A_62, %min3A_61 : vector<2048x256xf32>
    %min3A_67 = arith.minimumf %max3A_62, %min3A_61 : vector<2048x256xf32>
    %max3A_68 = arith.maximumf %min3A_63, %min3A_57 : vector<2048x256xf32>
    %min3A_69 = arith.minimumf %min3A_63, %min3A_57 : vector<2048x256xf32>
    %slice3A_70 = vector.extract_strided_slice %max3A_52 {offsets = [0, 0], sizes = [1024, 256], strides = [1, 1]} : vector<2048x256xf32> to vector<1024x256xf32>
    %slice3A_71 = vector.extract_strided_slice %max3A_64 {offsets = [0, 0], sizes = [1024, 256], strides = [1, 1]} : vector<2048x256xf32> to vector<1024x256xf32>
    %slice3A_72 = vector.extract_strided_slice %min3A_65 {offsets = [0, 0], sizes = [1024, 256], strides = [1, 1]} : vector<2048x256xf32> to vector<1024x256xf32>
    %slice3A_73 = vector.extract_strided_slice %max3A_66 {offsets = [0, 0], sizes = [1024, 256], strides = [1, 1]} : vector<2048x256xf32> to vector<1024x256xf32>
    %slice3A_74 = vector.extract_strided_slice %min3A_67 {offsets = [0, 0], sizes = [1024, 256], strides = [1, 1]} : vector<2048x256xf32> to vector<1024x256xf32>
    %slice3A_75 = vector.extract_strided_slice %max3A_68 {offsets = [0, 0], sizes = [1024, 256], strides = [1, 1]} : vector<2048x256xf32> to vector<1024x256xf32>
    %slice3A_76 = vector.extract_strided_slice %min3A_69 {offsets = [0, 0], sizes = [1024, 256], strides = [1, 1]} : vector<2048x256xf32> to vector<1024x256xf32>
    %slice3A_77 = vector.extract_strided_slice %min3A_59 {offsets = [0, 0], sizes = [1024, 256], strides = [1, 1]} : vector<2048x256xf32> to vector<1024x256xf32>
    %slice3A_78 = vector.extract_strided_slice %max3A_52 {offsets = [1024, 0], sizes = [1024, 256], strides = [1, 1]} : vector<2048x256xf32> to vector<1024x256xf32>
    %slice3A_79 = vector.extract_strided_slice %max3A_64 {offsets = [1024, 0], sizes = [1024, 256], strides = [1, 1]} : vector<2048x256xf32> to vector<1024x256xf32>
    %slice3A_80 = vector.extract_strided_slice %min3A_65 {offsets = [1024, 0], sizes = [1024, 256], strides = [1, 1]} : vector<2048x256xf32> to vector<1024x256xf32>
    %slice3A_81 = vector.extract_strided_slice %max3A_66 {offsets = [1024, 0], sizes = [1024, 256], strides = [1, 1]} : vector<2048x256xf32> to vector<1024x256xf32>
    %slice3A_82 = vector.extract_strided_slice %min3A_67 {offsets = [1024, 0], sizes = [1024, 256], strides = [1, 1]} : vector<2048x256xf32> to vector<1024x256xf32>
    %slice3A_83 = vector.extract_strided_slice %max3A_68 {offsets = [1024, 0], sizes = [1024, 256], strides = [1, 1]} : vector<2048x256xf32> to vector<1024x256xf32>
    %slice3A_84 = vector.extract_strided_slice %min3A_69 {offsets = [1024, 0], sizes = [1024, 256], strides = [1, 1]} : vector<2048x256xf32> to vector<1024x256xf32>
    %slice3A_85 = vector.extract_strided_slice %min3A_59 {offsets = [1024, 0], sizes = [1024, 256], strides = [1, 1]} : vector<2048x256xf32> to vector<1024x256xf32>
    %max3A_86 = arith.maximumf %slice3A_70, %slice3A_85 : vector<1024x256xf32>
    %max3A_87 = arith.maximumf %slice3A_71, %slice3A_84 : vector<1024x256xf32>
    %max3A_88 = arith.maximumf %slice3A_72, %slice3A_83 : vector<1024x256xf32>
    %max3A_89 = arith.maximumf %slice3A_73, %slice3A_82 : vector<1024x256xf32>
    %max3A_90 = arith.maximumf %slice3A_74, %slice3A_81 : vector<1024x256xf32>
    %max3A_91 = arith.maximumf %slice3A_75, %slice3A_80 : vector<1024x256xf32>
    %max3A_92 = arith.maximumf %slice3A_76, %slice3A_79 : vector<1024x256xf32>
    %max3A_93 = arith.maximumf %slice3A_77, %slice3A_78 : vector<1024x256xf32>
    %max3A_94 = arith.maximumf %max3A_86, %max3A_90 : vector<1024x256xf32>
    %min3A_95 = arith.minimumf %max3A_86, %max3A_90 : vector<1024x256xf32>
    %max3A_96 = arith.maximumf %max3A_87, %max3A_91 : vector<1024x256xf32>
    %min3A_97 = arith.minimumf %max3A_87, %max3A_91 : vector<1024x256xf32>
    %max3A_98 = arith.maximumf %max3A_88, %max3A_92 : vector<1024x256xf32>
    %min3A_99 = arith.minimumf %max3A_88, %max3A_92 : vector<1024x256xf32>
    %max3A_100 = arith.maximumf %max3A_89, %max3A_93 : vector<1024x256xf32>
    %min3A_101 = arith.minimumf %max3A_89, %max3A_93 : vector<1024x256xf32>
    %max3A_102 = arith.maximumf %max3A_94, %max3A_98 : vector<1024x256xf32>
    %min3A_103 = arith.minimumf %max3A_94, %max3A_98 : vector<1024x256xf32>
    %max3A_104 = arith.maximumf %max3A_96, %max3A_100 : vector<1024x256xf32>
    %min3A_105 = arith.minimumf %max3A_96, %max3A_100 : vector<1024x256xf32>
    %max3A_106 = arith.maximumf %min3A_95, %min3A_99 : vector<1024x256xf32>
    %min3A_107 = arith.minimumf %min3A_95, %min3A_99 : vector<1024x256xf32>
    %max3A_108 = arith.maximumf %min3A_97, %min3A_101 : vector<1024x256xf32>
    %min3A_109 = arith.minimumf %min3A_97, %min3A_101 : vector<1024x256xf32>
    %max3A_110 = arith.maximumf %max3A_102, %max3A_104 : vector<1024x256xf32>
    %min3A_111 = arith.minimumf %max3A_102, %max3A_104 : vector<1024x256xf32>
    %max3A_112 = arith.maximumf %min3A_103, %min3A_105 : vector<1024x256xf32>
    %min3A_113 = arith.minimumf %min3A_103, %min3A_105 : vector<1024x256xf32>
    %max3A_114 = arith.maximumf %max3A_106, %max3A_108 : vector<1024x256xf32>
    %min3A_115 = arith.minimumf %max3A_106, %max3A_108 : vector<1024x256xf32>
    %max3A_116 = arith.maximumf %min3A_107, %min3A_109 : vector<1024x256xf32>
    %min3A_117 = arith.minimumf %min3A_107, %min3A_109 : vector<1024x256xf32>
    %slice3A_118 = vector.extract_strided_slice %max3A_110 {offsets = [0, 0], sizes = [512, 256], strides = [1, 1]} : vector<1024x256xf32> to vector<512x256xf32>
    %slice3A_119 = vector.extract_strided_slice %min3A_111 {offsets = [0, 0], sizes = [512, 256], strides = [1, 1]} : vector<1024x256xf32> to vector<512x256xf32>
    %slice3A_120 = vector.extract_strided_slice %max3A_112 {offsets = [0, 0], sizes = [512, 256], strides = [1, 1]} : vector<1024x256xf32> to vector<512x256xf32>
    %slice3A_121 = vector.extract_strided_slice %min3A_113 {offsets = [0, 0], sizes = [512, 256], strides = [1, 1]} : vector<1024x256xf32> to vector<512x256xf32>
    %slice3A_122 = vector.extract_strided_slice %max3A_114 {offsets = [0, 0], sizes = [512, 256], strides = [1, 1]} : vector<1024x256xf32> to vector<512x256xf32>
    %slice3A_123 = vector.extract_strided_slice %min3A_115 {offsets = [0, 0], sizes = [512, 256], strides = [1, 1]} : vector<1024x256xf32> to vector<512x256xf32>
    %slice3A_124 = vector.extract_strided_slice %max3A_116 {offsets = [0, 0], sizes = [512, 256], strides = [1, 1]} : vector<1024x256xf32> to vector<512x256xf32>
    %slice3A_125 = vector.extract_strided_slice %min3A_117 {offsets = [0, 0], sizes = [512, 256], strides = [1, 1]} : vector<1024x256xf32> to vector<512x256xf32>
    %slice3A_126 = vector.extract_strided_slice %max3A_110 {offsets = [512, 0], sizes = [512, 256], strides = [1, 1]} : vector<1024x256xf32> to vector<512x256xf32>
    %slice3A_127 = vector.extract_strided_slice %min3A_111 {offsets = [512, 0], sizes = [512, 256], strides = [1, 1]} : vector<1024x256xf32> to vector<512x256xf32>
    %slice3A_128 = vector.extract_strided_slice %max3A_112 {offsets = [512, 0], sizes = [512, 256], strides = [1, 1]} : vector<1024x256xf32> to vector<512x256xf32>
    %slice3A_129 = vector.extract_strided_slice %min3A_113 {offsets = [512, 0], sizes = [512, 256], strides = [1, 1]} : vector<1024x256xf32> to vector<512x256xf32>
    %slice3A_130 = vector.extract_strided_slice %max3A_114 {offsets = [512, 0], sizes = [512, 256], strides = [1, 1]} : vector<1024x256xf32> to vector<512x256xf32>
    %slice3A_131 = vector.extract_strided_slice %min3A_115 {offsets = [512, 0], sizes = [512, 256], strides = [1, 1]} : vector<1024x256xf32> to vector<512x256xf32>
    %slice3A_132 = vector.extract_strided_slice %max3A_116 {offsets = [512, 0], sizes = [512, 256], strides = [1, 1]} : vector<1024x256xf32> to vector<512x256xf32>
    %slice3A_133 = vector.extract_strided_slice %min3A_117 {offsets = [512, 0], sizes = [512, 256], strides = [1, 1]} : vector<1024x256xf32> to vector<512x256xf32>
    %max3A_134 = arith.maximumf %slice3A_118, %slice3A_133 : vector<512x256xf32>
    %max3A_135 = arith.maximumf %slice3A_119, %slice3A_132 : vector<512x256xf32>
    %max3A_136 = arith.maximumf %slice3A_120, %slice3A_131 : vector<512x256xf32>
    %max3A_137 = arith.maximumf %slice3A_121, %slice3A_130 : vector<512x256xf32>
    %max3A_138 = arith.maximumf %slice3A_122, %slice3A_129 : vector<512x256xf32>
    %max3A_139 = arith.maximumf %slice3A_123, %slice3A_128 : vector<512x256xf32>
    %max3A_140 = arith.maximumf %slice3A_124, %slice3A_127 : vector<512x256xf32>
    %max3A_141 = arith.maximumf %slice3A_125, %slice3A_126 : vector<512x256xf32>
    %max3A_142 = arith.maximumf %max3A_134, %max3A_138 : vector<512x256xf32>
    %min3A_143 = arith.minimumf %max3A_134, %max3A_138 : vector<512x256xf32>
    %max3A_144 = arith.maximumf %max3A_135, %max3A_139 : vector<512x256xf32>
    %min3A_145 = arith.minimumf %max3A_135, %max3A_139 : vector<512x256xf32>
    %max3A_146 = arith.maximumf %max3A_136, %max3A_140 : vector<512x256xf32>
    %min3A_147 = arith.minimumf %max3A_136, %max3A_140 : vector<512x256xf32>
    %max3A_148 = arith.maximumf %max3A_137, %max3A_141 : vector<512x256xf32>
    %min3A_149 = arith.minimumf %max3A_137, %max3A_141 : vector<512x256xf32>
    %max3A_150 = arith.maximumf %max3A_142, %max3A_146 : vector<512x256xf32>
    %min3A_151 = arith.minimumf %max3A_142, %max3A_146 : vector<512x256xf32>
    %max3A_152 = arith.maximumf %max3A_144, %max3A_148 : vector<512x256xf32>
    %min3A_153 = arith.minimumf %max3A_144, %max3A_148 : vector<512x256xf32>
    %max3A_154 = arith.maximumf %min3A_143, %min3A_147 : vector<512x256xf32>
    %min3A_155 = arith.minimumf %min3A_143, %min3A_147 : vector<512x256xf32>
    %max3A_156 = arith.maximumf %min3A_145, %min3A_149 : vector<512x256xf32>
    %min3A_157 = arith.minimumf %min3A_145, %min3A_149 : vector<512x256xf32>
    %max3A_158 = arith.maximumf %max3A_150, %max3A_152 : vector<512x256xf32>
    %min3A_159 = arith.minimumf %max3A_150, %max3A_152 : vector<512x256xf32>
    %max3A_160 = arith.maximumf %min3A_151, %min3A_153 : vector<512x256xf32>
    %min3A_161 = arith.minimumf %min3A_151, %min3A_153 : vector<512x256xf32>
    %max3A_162 = arith.maximumf %max3A_154, %max3A_156 : vector<512x256xf32>
    %min3A_163 = arith.minimumf %max3A_154, %max3A_156 : vector<512x256xf32>
    %max3A_164 = arith.maximumf %min3A_155, %min3A_157 : vector<512x256xf32>
    %min3A_165 = arith.minimumf %min3A_155, %min3A_157 : vector<512x256xf32>
    %slice3A_166 = vector.extract_strided_slice %max3A_158 {offsets = [0, 0], sizes = [256, 256], strides = [1, 1]} : vector<512x256xf32> to vector<256x256xf32>
    %slice3A_167 = vector.extract_strided_slice %min3A_159 {offsets = [0, 0], sizes = [256, 256], strides = [1, 1]} : vector<512x256xf32> to vector<256x256xf32>
    %slice3A_168 = vector.extract_strided_slice %max3A_160 {offsets = [0, 0], sizes = [256, 256], strides = [1, 1]} : vector<512x256xf32> to vector<256x256xf32>
    %slice3A_169 = vector.extract_strided_slice %min3A_161 {offsets = [0, 0], sizes = [256, 256], strides = [1, 1]} : vector<512x256xf32> to vector<256x256xf32>
    %slice3A_170 = vector.extract_strided_slice %max3A_162 {offsets = [0, 0], sizes = [256, 256], strides = [1, 1]} : vector<512x256xf32> to vector<256x256xf32>
    %slice3A_171 = vector.extract_strided_slice %min3A_163 {offsets = [0, 0], sizes = [256, 256], strides = [1, 1]} : vector<512x256xf32> to vector<256x256xf32>
    %slice3A_172 = vector.extract_strided_slice %max3A_164 {offsets = [0, 0], sizes = [256, 256], strides = [1, 1]} : vector<512x256xf32> to vector<256x256xf32>
    %slice3A_173 = vector.extract_strided_slice %min3A_165 {offsets = [0, 0], sizes = [256, 256], strides = [1, 1]} : vector<512x256xf32> to vector<256x256xf32>
    %slice3A_174 = vector.extract_strided_slice %max3A_158 {offsets = [256, 0], sizes = [256, 256], strides = [1, 1]} : vector<512x256xf32> to vector<256x256xf32>
    %slice3A_175 = vector.extract_strided_slice %min3A_159 {offsets = [256, 0], sizes = [256, 256], strides = [1, 1]} : vector<512x256xf32> to vector<256x256xf32>
    %slice3A_176 = vector.extract_strided_slice %max3A_160 {offsets = [256, 0], sizes = [256, 256], strides = [1, 1]} : vector<512x256xf32> to vector<256x256xf32>
    %slice3A_177 = vector.extract_strided_slice %min3A_161 {offsets = [256, 0], sizes = [256, 256], strides = [1, 1]} : vector<512x256xf32> to vector<256x256xf32>
    %slice3A_178 = vector.extract_strided_slice %max3A_162 {offsets = [256, 0], sizes = [256, 256], strides = [1, 1]} : vector<512x256xf32> to vector<256x256xf32>
    %slice3A_179 = vector.extract_strided_slice %min3A_163 {offsets = [256, 0], sizes = [256, 256], strides = [1, 1]} : vector<512x256xf32> to vector<256x256xf32>
    %slice3A_180 = vector.extract_strided_slice %max3A_164 {offsets = [256, 0], sizes = [256, 256], strides = [1, 1]} : vector<512x256xf32> to vector<256x256xf32>
    %slice3A_181 = vector.extract_strided_slice %min3A_165 {offsets = [256, 0], sizes = [256, 256], strides = [1, 1]} : vector<512x256xf32> to vector<256x256xf32>
    %max3A_182 = arith.maximumf %slice3A_166, %slice3A_181 : vector<256x256xf32>
    %max3A_183 = arith.maximumf %slice3A_167, %slice3A_180 : vector<256x256xf32>
    %max3A_184 = arith.maximumf %slice3A_168, %slice3A_179 : vector<256x256xf32>
    %max3A_185 = arith.maximumf %slice3A_169, %slice3A_178 : vector<256x256xf32>
    %max3A_186 = arith.maximumf %slice3A_170, %slice3A_177 : vector<256x256xf32>
    %max3A_187 = arith.maximumf %slice3A_171, %slice3A_176 : vector<256x256xf32>
    %max3A_188 = arith.maximumf %slice3A_172, %slice3A_175 : vector<256x256xf32>
    %max3A_189 = arith.maximumf %slice3A_173, %slice3A_174 : vector<256x256xf32>
    %max3A_190 = arith.maximumf %max3A_182, %max3A_186 : vector<256x256xf32>
    %min3A_191 = arith.minimumf %max3A_182, %max3A_186 : vector<256x256xf32>
    %max3A_192 = arith.maximumf %max3A_183, %max3A_187 : vector<256x256xf32>
    %min3A_193 = arith.minimumf %max3A_183, %max3A_187 : vector<256x256xf32>
    %max3A_194 = arith.maximumf %max3A_184, %max3A_188 : vector<256x256xf32>
    %min3A_195 = arith.minimumf %max3A_184, %max3A_188 : vector<256x256xf32>
    %max3A_196 = arith.maximumf %max3A_185, %max3A_189 : vector<256x256xf32>
    %min3A_197 = arith.minimumf %max3A_185, %max3A_189 : vector<256x256xf32>
    %max3A_198 = arith.maximumf %max3A_190, %max3A_194 : vector<256x256xf32>
    %min3A_199 = arith.minimumf %max3A_190, %max3A_194 : vector<256x256xf32>
    %max3A_200 = arith.maximumf %max3A_192, %max3A_196 : vector<256x256xf32>
    %min3A_201 = arith.minimumf %max3A_192, %max3A_196 : vector<256x256xf32>
    %max3A_202 = arith.maximumf %min3A_191, %min3A_195 : vector<256x256xf32>
    %min3A_203 = arith.minimumf %min3A_191, %min3A_195 : vector<256x256xf32>
    %max3A_204 = arith.maximumf %min3A_193, %min3A_197 : vector<256x256xf32>
    %min3A_205 = arith.minimumf %min3A_193, %min3A_197 : vector<256x256xf32>
    %max3A_206 = arith.maximumf %max3A_198, %max3A_200 : vector<256x256xf32>
    %min3A_207 = arith.minimumf %max3A_198, %max3A_200 : vector<256x256xf32>
    %max3A_208 = arith.maximumf %min3A_199, %min3A_201 : vector<256x256xf32>
    %min3A_209 = arith.minimumf %min3A_199, %min3A_201 : vector<256x256xf32>
    %max3A_210 = arith.maximumf %max3A_202, %max3A_204 : vector<256x256xf32>
    %min3A_211 = arith.minimumf %max3A_202, %max3A_204 : vector<256x256xf32>
    %max3A_212 = arith.maximumf %min3A_203, %min3A_205 : vector<256x256xf32>
    %min3A_213 = arith.minimumf %min3A_203, %min3A_205 : vector<256x256xf32>
    %slice3A_214 = vector.extract_strided_slice %max3A_206 {offsets = [0, 0], sizes = [128, 256], strides = [1, 1]} : vector<256x256xf32> to vector<128x256xf32>
    %slice3A_215 = vector.extract_strided_slice %min3A_207 {offsets = [0, 0], sizes = [128, 256], strides = [1, 1]} : vector<256x256xf32> to vector<128x256xf32>
    %slice3A_216 = vector.extract_strided_slice %max3A_208 {offsets = [0, 0], sizes = [128, 256], strides = [1, 1]} : vector<256x256xf32> to vector<128x256xf32>
    %slice3A_217 = vector.extract_strided_slice %min3A_209 {offsets = [0, 0], sizes = [128, 256], strides = [1, 1]} : vector<256x256xf32> to vector<128x256xf32>
    %slice3A_218 = vector.extract_strided_slice %max3A_210 {offsets = [0, 0], sizes = [128, 256], strides = [1, 1]} : vector<256x256xf32> to vector<128x256xf32>
    %slice3A_219 = vector.extract_strided_slice %min3A_211 {offsets = [0, 0], sizes = [128, 256], strides = [1, 1]} : vector<256x256xf32> to vector<128x256xf32>
    %slice3A_220 = vector.extract_strided_slice %max3A_212 {offsets = [0, 0], sizes = [128, 256], strides = [1, 1]} : vector<256x256xf32> to vector<128x256xf32>
    %slice3A_221 = vector.extract_strided_slice %min3A_213 {offsets = [0, 0], sizes = [128, 256], strides = [1, 1]} : vector<256x256xf32> to vector<128x256xf32>
    %slice3A_222 = vector.extract_strided_slice %max3A_206 {offsets = [128, 0], sizes = [128, 256], strides = [1, 1]} : vector<256x256xf32> to vector<128x256xf32>
    %slice3A_223 = vector.extract_strided_slice %min3A_207 {offsets = [128, 0], sizes = [128, 256], strides = [1, 1]} : vector<256x256xf32> to vector<128x256xf32>
    %slice3A_224 = vector.extract_strided_slice %max3A_208 {offsets = [128, 0], sizes = [128, 256], strides = [1, 1]} : vector<256x256xf32> to vector<128x256xf32>
    %slice3A_225 = vector.extract_strided_slice %min3A_209 {offsets = [128, 0], sizes = [128, 256], strides = [1, 1]} : vector<256x256xf32> to vector<128x256xf32>
    %slice3A_226 = vector.extract_strided_slice %max3A_210 {offsets = [128, 0], sizes = [128, 256], strides = [1, 1]} : vector<256x256xf32> to vector<128x256xf32>
    %slice3A_227 = vector.extract_strided_slice %min3A_211 {offsets = [128, 0], sizes = [128, 256], strides = [1, 1]} : vector<256x256xf32> to vector<128x256xf32>
    %slice3A_228 = vector.extract_strided_slice %max3A_212 {offsets = [128, 0], sizes = [128, 256], strides = [1, 1]} : vector<256x256xf32> to vector<128x256xf32>
    %slice3A_229 = vector.extract_strided_slice %min3A_213 {offsets = [128, 0], sizes = [128, 256], strides = [1, 1]} : vector<256x256xf32> to vector<128x256xf32>
    %max3A_230 = arith.maximumf %slice3A_214, %slice3A_229 : vector<128x256xf32>
    %max3A_231 = arith.maximumf %slice3A_215, %slice3A_228 : vector<128x256xf32>
    %max3A_232 = arith.maximumf %slice3A_216, %slice3A_227 : vector<128x256xf32>
    %max3A_233 = arith.maximumf %slice3A_217, %slice3A_226 : vector<128x256xf32>
    %max3A_234 = arith.maximumf %slice3A_218, %slice3A_225 : vector<128x256xf32>
    %max3A_235 = arith.maximumf %slice3A_219, %slice3A_224 : vector<128x256xf32>
    %max3A_236 = arith.maximumf %slice3A_220, %slice3A_223 : vector<128x256xf32>
    %max3A_237 = arith.maximumf %slice3A_221, %slice3A_222 : vector<128x256xf32>
    %max3A_238 = arith.maximumf %max3A_230, %max3A_234 : vector<128x256xf32>
    %min3A_239 = arith.minimumf %max3A_230, %max3A_234 : vector<128x256xf32>
    %max3A_240 = arith.maximumf %max3A_231, %max3A_235 : vector<128x256xf32>
    %min3A_241 = arith.minimumf %max3A_231, %max3A_235 : vector<128x256xf32>
    %max3A_242 = arith.maximumf %max3A_232, %max3A_236 : vector<128x256xf32>
    %min3A_243 = arith.minimumf %max3A_232, %max3A_236 : vector<128x256xf32>
    %max3A_244 = arith.maximumf %max3A_233, %max3A_237 : vector<128x256xf32>
    %min3A_245 = arith.minimumf %max3A_233, %max3A_237 : vector<128x256xf32>
    %max3A_246 = arith.maximumf %max3A_238, %max3A_242 : vector<128x256xf32>
    %min3A_247 = arith.minimumf %max3A_238, %max3A_242 : vector<128x256xf32>
    %max3A_248 = arith.maximumf %max3A_240, %max3A_244 : vector<128x256xf32>
    %min3A_249 = arith.minimumf %max3A_240, %max3A_244 : vector<128x256xf32>
    %max3A_250 = arith.maximumf %min3A_239, %min3A_243 : vector<128x256xf32>
    %min3A_251 = arith.minimumf %min3A_239, %min3A_243 : vector<128x256xf32>
    %max3A_252 = arith.maximumf %min3A_241, %min3A_245 : vector<128x256xf32>
    %min3A_253 = arith.minimumf %min3A_241, %min3A_245 : vector<128x256xf32>
    %max3A_254 = arith.maximumf %max3A_246, %max3A_248 : vector<128x256xf32>
    %min3A_255 = arith.minimumf %max3A_246, %max3A_248 : vector<128x256xf32>
    %max3A_256 = arith.maximumf %min3A_247, %min3A_249 : vector<128x256xf32>
    %min3A_257 = arith.minimumf %min3A_247, %min3A_249 : vector<128x256xf32>
    %max3A_258 = arith.maximumf %max3A_250, %max3A_252 : vector<128x256xf32>
    %min3A_259 = arith.minimumf %max3A_250, %max3A_252 : vector<128x256xf32>
    %max3A_260 = arith.maximumf %min3A_251, %min3A_253 : vector<128x256xf32>
    %min3A_261 = arith.minimumf %min3A_251, %min3A_253 : vector<128x256xf32>
    %slice3A_262 = vector.extract_strided_slice %max3A_254 {offsets = [0, 0], sizes = [64, 256], strides = [1, 1]} : vector<128x256xf32> to vector<64x256xf32>
    %slice3A_263 = vector.extract_strided_slice %min3A_255 {offsets = [0, 0], sizes = [64, 256], strides = [1, 1]} : vector<128x256xf32> to vector<64x256xf32>
    %slice3A_264 = vector.extract_strided_slice %max3A_256 {offsets = [0, 0], sizes = [64, 256], strides = [1, 1]} : vector<128x256xf32> to vector<64x256xf32>
    %slice3A_265 = vector.extract_strided_slice %min3A_257 {offsets = [0, 0], sizes = [64, 256], strides = [1, 1]} : vector<128x256xf32> to vector<64x256xf32>
    %slice3A_266 = vector.extract_strided_slice %max3A_258 {offsets = [0, 0], sizes = [64, 256], strides = [1, 1]} : vector<128x256xf32> to vector<64x256xf32>
    %slice3A_267 = vector.extract_strided_slice %min3A_259 {offsets = [0, 0], sizes = [64, 256], strides = [1, 1]} : vector<128x256xf32> to vector<64x256xf32>
    %slice3A_268 = vector.extract_strided_slice %max3A_260 {offsets = [0, 0], sizes = [64, 256], strides = [1, 1]} : vector<128x256xf32> to vector<64x256xf32>
    %slice3A_269 = vector.extract_strided_slice %min3A_261 {offsets = [0, 0], sizes = [64, 256], strides = [1, 1]} : vector<128x256xf32> to vector<64x256xf32>
    %slice3A_270 = vector.extract_strided_slice %max3A_254 {offsets = [64, 0], sizes = [64, 256], strides = [1, 1]} : vector<128x256xf32> to vector<64x256xf32>
    %slice3A_271 = vector.extract_strided_slice %min3A_255 {offsets = [64, 0], sizes = [64, 256], strides = [1, 1]} : vector<128x256xf32> to vector<64x256xf32>
    %slice3A_272 = vector.extract_strided_slice %max3A_256 {offsets = [64, 0], sizes = [64, 256], strides = [1, 1]} : vector<128x256xf32> to vector<64x256xf32>
    %slice3A_273 = vector.extract_strided_slice %min3A_257 {offsets = [64, 0], sizes = [64, 256], strides = [1, 1]} : vector<128x256xf32> to vector<64x256xf32>
    %slice3A_274 = vector.extract_strided_slice %max3A_258 {offsets = [64, 0], sizes = [64, 256], strides = [1, 1]} : vector<128x256xf32> to vector<64x256xf32>
    %slice3A_275 = vector.extract_strided_slice %min3A_259 {offsets = [64, 0], sizes = [64, 256], strides = [1, 1]} : vector<128x256xf32> to vector<64x256xf32>
    %slice3A_276 = vector.extract_strided_slice %max3A_260 {offsets = [64, 0], sizes = [64, 256], strides = [1, 1]} : vector<128x256xf32> to vector<64x256xf32>
    %slice3A_277 = vector.extract_strided_slice %min3A_261 {offsets = [64, 0], sizes = [64, 256], strides = [1, 1]} : vector<128x256xf32> to vector<64x256xf32>
    %max3A_278 = arith.maximumf %slice3A_262, %slice3A_277 : vector<64x256xf32>
    %max3A_279 = arith.maximumf %slice3A_263, %slice3A_276 : vector<64x256xf32>
    %max3A_280 = arith.maximumf %slice3A_264, %slice3A_275 : vector<64x256xf32>
    %max3A_281 = arith.maximumf %slice3A_265, %slice3A_274 : vector<64x256xf32>
    %max3A_282 = arith.maximumf %slice3A_266, %slice3A_273 : vector<64x256xf32>
    %max3A_283 = arith.maximumf %slice3A_267, %slice3A_272 : vector<64x256xf32>
    %max3A_284 = arith.maximumf %slice3A_268, %slice3A_271 : vector<64x256xf32>
    %max3A_285 = arith.maximumf %slice3A_269, %slice3A_270 : vector<64x256xf32>
    %max3A_286 = arith.maximumf %max3A_278, %max3A_282 : vector<64x256xf32>
    %min3A_287 = arith.minimumf %max3A_278, %max3A_282 : vector<64x256xf32>
    %max3A_288 = arith.maximumf %max3A_279, %max3A_283 : vector<64x256xf32>
    %min3A_289 = arith.minimumf %max3A_279, %max3A_283 : vector<64x256xf32>
    %max3A_290 = arith.maximumf %max3A_280, %max3A_284 : vector<64x256xf32>
    %min3A_291 = arith.minimumf %max3A_280, %max3A_284 : vector<64x256xf32>
    %max3A_292 = arith.maximumf %max3A_281, %max3A_285 : vector<64x256xf32>
    %min3A_293 = arith.minimumf %max3A_281, %max3A_285 : vector<64x256xf32>
    %max3A_294 = arith.maximumf %max3A_286, %max3A_290 : vector<64x256xf32>
    %min3A_295 = arith.minimumf %max3A_286, %max3A_290 : vector<64x256xf32>
    %max3A_296 = arith.maximumf %max3A_288, %max3A_292 : vector<64x256xf32>
    %min3A_297 = arith.minimumf %max3A_288, %max3A_292 : vector<64x256xf32>
    %max3A_298 = arith.maximumf %min3A_287, %min3A_291 : vector<64x256xf32>
    %min3A_299 = arith.minimumf %min3A_287, %min3A_291 : vector<64x256xf32>
    %max3A_300 = arith.maximumf %min3A_289, %min3A_293 : vector<64x256xf32>
    %min3A_301 = arith.minimumf %min3A_289, %min3A_293 : vector<64x256xf32>
    %max3A_302 = arith.maximumf %max3A_294, %max3A_296 : vector<64x256xf32>
    %min3A_303 = arith.minimumf %max3A_294, %max3A_296 : vector<64x256xf32>
    %max3A_304 = arith.maximumf %min3A_295, %min3A_297 : vector<64x256xf32>
    %min3A_305 = arith.minimumf %min3A_295, %min3A_297 : vector<64x256xf32>
    %max3A_306 = arith.maximumf %max3A_298, %max3A_300 : vector<64x256xf32>
    %min3A_307 = arith.minimumf %max3A_298, %max3A_300 : vector<64x256xf32>
    %max3A_308 = arith.maximumf %min3A_299, %min3A_301 : vector<64x256xf32>
    %min3A_309 = arith.minimumf %min3A_299, %min3A_301 : vector<64x256xf32>
    %slice3A_310 = vector.extract_strided_slice %max3A_302 {offsets = [0, 0], sizes = [32, 256], strides = [1, 1]} : vector<64x256xf32> to vector<32x256xf32>
    %slice3A_311 = vector.extract_strided_slice %min3A_303 {offsets = [0, 0], sizes = [32, 256], strides = [1, 1]} : vector<64x256xf32> to vector<32x256xf32>
    %slice3A_312 = vector.extract_strided_slice %max3A_304 {offsets = [0, 0], sizes = [32, 256], strides = [1, 1]} : vector<64x256xf32> to vector<32x256xf32>
    %slice3A_313 = vector.extract_strided_slice %min3A_305 {offsets = [0, 0], sizes = [32, 256], strides = [1, 1]} : vector<64x256xf32> to vector<32x256xf32>
    %slice3A_314 = vector.extract_strided_slice %max3A_306 {offsets = [0, 0], sizes = [32, 256], strides = [1, 1]} : vector<64x256xf32> to vector<32x256xf32>
    %slice3A_315 = vector.extract_strided_slice %min3A_307 {offsets = [0, 0], sizes = [32, 256], strides = [1, 1]} : vector<64x256xf32> to vector<32x256xf32>
    %slice3A_316 = vector.extract_strided_slice %max3A_308 {offsets = [0, 0], sizes = [32, 256], strides = [1, 1]} : vector<64x256xf32> to vector<32x256xf32>
    %slice3A_317 = vector.extract_strided_slice %min3A_309 {offsets = [0, 0], sizes = [32, 256], strides = [1, 1]} : vector<64x256xf32> to vector<32x256xf32>
    %slice3A_318 = vector.extract_strided_slice %max3A_302 {offsets = [32, 0], sizes = [32, 256], strides = [1, 1]} : vector<64x256xf32> to vector<32x256xf32>
    %slice3A_319 = vector.extract_strided_slice %min3A_303 {offsets = [32, 0], sizes = [32, 256], strides = [1, 1]} : vector<64x256xf32> to vector<32x256xf32>
    %slice3A_320 = vector.extract_strided_slice %max3A_304 {offsets = [32, 0], sizes = [32, 256], strides = [1, 1]} : vector<64x256xf32> to vector<32x256xf32>
    %slice3A_321 = vector.extract_strided_slice %min3A_305 {offsets = [32, 0], sizes = [32, 256], strides = [1, 1]} : vector<64x256xf32> to vector<32x256xf32>
    %slice3A_322 = vector.extract_strided_slice %max3A_306 {offsets = [32, 0], sizes = [32, 256], strides = [1, 1]} : vector<64x256xf32> to vector<32x256xf32>
    %slice3A_323 = vector.extract_strided_slice %min3A_307 {offsets = [32, 0], sizes = [32, 256], strides = [1, 1]} : vector<64x256xf32> to vector<32x256xf32>
    %slice3A_324 = vector.extract_strided_slice %max3A_308 {offsets = [32, 0], sizes = [32, 256], strides = [1, 1]} : vector<64x256xf32> to vector<32x256xf32>
    %slice3A_325 = vector.extract_strided_slice %min3A_309 {offsets = [32, 0], sizes = [32, 256], strides = [1, 1]} : vector<64x256xf32> to vector<32x256xf32>
    %max3A_326 = arith.maximumf %slice3A_310, %slice3A_325 : vector<32x256xf32>
    %max3A_327 = arith.maximumf %slice3A_311, %slice3A_324 : vector<32x256xf32>
    %max3A_328 = arith.maximumf %slice3A_312, %slice3A_323 : vector<32x256xf32>
    %max3A_329 = arith.maximumf %slice3A_313, %slice3A_322 : vector<32x256xf32>
    %max3A_330 = arith.maximumf %slice3A_314, %slice3A_321 : vector<32x256xf32>
    %max3A_331 = arith.maximumf %slice3A_315, %slice3A_320 : vector<32x256xf32>
    %max3A_332 = arith.maximumf %slice3A_316, %slice3A_319 : vector<32x256xf32>
    %max3A_333 = arith.maximumf %slice3A_317, %slice3A_318 : vector<32x256xf32>
    %max3A_334 = arith.maximumf %max3A_326, %max3A_330 : vector<32x256xf32>
    %min3A_335 = arith.minimumf %max3A_326, %max3A_330 : vector<32x256xf32>
    %max3A_336 = arith.maximumf %max3A_327, %max3A_331 : vector<32x256xf32>
    %min3A_337 = arith.minimumf %max3A_327, %max3A_331 : vector<32x256xf32>
    %max3A_338 = arith.maximumf %max3A_328, %max3A_332 : vector<32x256xf32>
    %min3A_339 = arith.minimumf %max3A_328, %max3A_332 : vector<32x256xf32>
    %max3A_340 = arith.maximumf %max3A_329, %max3A_333 : vector<32x256xf32>
    %min3A_341 = arith.minimumf %max3A_329, %max3A_333 : vector<32x256xf32>
    %max3A_342 = arith.maximumf %max3A_334, %max3A_338 : vector<32x256xf32>
    %min3A_343 = arith.minimumf %max3A_334, %max3A_338 : vector<32x256xf32>
    %max3A_344 = arith.maximumf %max3A_336, %max3A_340 : vector<32x256xf32>
    %min3A_345 = arith.minimumf %max3A_336, %max3A_340 : vector<32x256xf32>
    %max3A_346 = arith.maximumf %min3A_335, %min3A_339 : vector<32x256xf32>
    %min3A_347 = arith.minimumf %min3A_335, %min3A_339 : vector<32x256xf32>
    %max3A_348 = arith.maximumf %min3A_337, %min3A_341 : vector<32x256xf32>
    %min3A_349 = arith.minimumf %min3A_337, %min3A_341 : vector<32x256xf32>
    %max3A_350 = arith.maximumf %max3A_342, %max3A_344 : vector<32x256xf32>
    %min3A_351 = arith.minimumf %max3A_342, %max3A_344 : vector<32x256xf32>
    %max3A_352 = arith.maximumf %min3A_343, %min3A_345 : vector<32x256xf32>
    %min3A_353 = arith.minimumf %min3A_343, %min3A_345 : vector<32x256xf32>
    %max3A_354 = arith.maximumf %max3A_346, %max3A_348 : vector<32x256xf32>
    %min3A_355 = arith.minimumf %max3A_346, %max3A_348 : vector<32x256xf32>
    %max3A_356 = arith.maximumf %min3A_347, %min3A_349 : vector<32x256xf32>
    %min3A_357 = arith.minimumf %min3A_347, %min3A_349 : vector<32x256xf32>
    %slice3A_358 = vector.extract_strided_slice %max3A_350 {offsets = [0, 0], sizes = [16, 256], strides = [1, 1]} : vector<32x256xf32> to vector<16x256xf32>
    %slice3A_359 = vector.extract_strided_slice %min3A_351 {offsets = [0, 0], sizes = [16, 256], strides = [1, 1]} : vector<32x256xf32> to vector<16x256xf32>
    %slice3A_360 = vector.extract_strided_slice %max3A_352 {offsets = [0, 0], sizes = [16, 256], strides = [1, 1]} : vector<32x256xf32> to vector<16x256xf32>
    %slice3A_361 = vector.extract_strided_slice %min3A_353 {offsets = [0, 0], sizes = [16, 256], strides = [1, 1]} : vector<32x256xf32> to vector<16x256xf32>
    %slice3A_362 = vector.extract_strided_slice %max3A_354 {offsets = [0, 0], sizes = [16, 256], strides = [1, 1]} : vector<32x256xf32> to vector<16x256xf32>
    %slice3A_363 = vector.extract_strided_slice %min3A_355 {offsets = [0, 0], sizes = [16, 256], strides = [1, 1]} : vector<32x256xf32> to vector<16x256xf32>
    %slice3A_364 = vector.extract_strided_slice %max3A_356 {offsets = [0, 0], sizes = [16, 256], strides = [1, 1]} : vector<32x256xf32> to vector<16x256xf32>
    %slice3A_365 = vector.extract_strided_slice %min3A_357 {offsets = [0, 0], sizes = [16, 256], strides = [1, 1]} : vector<32x256xf32> to vector<16x256xf32>
    %slice3A_366 = vector.extract_strided_slice %max3A_350 {offsets = [16, 0], sizes = [16, 256], strides = [1, 1]} : vector<32x256xf32> to vector<16x256xf32>
    %slice3A_367 = vector.extract_strided_slice %min3A_351 {offsets = [16, 0], sizes = [16, 256], strides = [1, 1]} : vector<32x256xf32> to vector<16x256xf32>
    %slice3A_368 = vector.extract_strided_slice %max3A_352 {offsets = [16, 0], sizes = [16, 256], strides = [1, 1]} : vector<32x256xf32> to vector<16x256xf32>
    %slice3A_369 = vector.extract_strided_slice %min3A_353 {offsets = [16, 0], sizes = [16, 256], strides = [1, 1]} : vector<32x256xf32> to vector<16x256xf32>
    %slice3A_370 = vector.extract_strided_slice %max3A_354 {offsets = [16, 0], sizes = [16, 256], strides = [1, 1]} : vector<32x256xf32> to vector<16x256xf32>
    %slice3A_371 = vector.extract_strided_slice %min3A_355 {offsets = [16, 0], sizes = [16, 256], strides = [1, 1]} : vector<32x256xf32> to vector<16x256xf32>
    %slice3A_372 = vector.extract_strided_slice %max3A_356 {offsets = [16, 0], sizes = [16, 256], strides = [1, 1]} : vector<32x256xf32> to vector<16x256xf32>
    %slice3A_373 = vector.extract_strided_slice %min3A_357 {offsets = [16, 0], sizes = [16, 256], strides = [1, 1]} : vector<32x256xf32> to vector<16x256xf32>
    %max3A_374 = arith.maximumf %slice3A_358, %slice3A_373 : vector<16x256xf32>
    %max3A_375 = arith.maximumf %slice3A_359, %slice3A_372 : vector<16x256xf32>
    %max3A_376 = arith.maximumf %slice3A_360, %slice3A_371 : vector<16x256xf32>
    %max3A_377 = arith.maximumf %slice3A_361, %slice3A_370 : vector<16x256xf32>
    %max3A_378 = arith.maximumf %slice3A_362, %slice3A_369 : vector<16x256xf32>
    %max3A_379 = arith.maximumf %slice3A_363, %slice3A_368 : vector<16x256xf32>
    %max3A_380 = arith.maximumf %slice3A_364, %slice3A_367 : vector<16x256xf32>
    %max3A_381 = arith.maximumf %slice3A_365, %slice3A_366 : vector<16x256xf32>
    %max3A_382 = arith.maximumf %max3A_374, %max3A_378 : vector<16x256xf32>
    %min3A_383 = arith.minimumf %max3A_374, %max3A_378 : vector<16x256xf32>
    %max3A_384 = arith.maximumf %max3A_375, %max3A_379 : vector<16x256xf32>
    %min3A_385 = arith.minimumf %max3A_375, %max3A_379 : vector<16x256xf32>
    %max3A_386 = arith.maximumf %max3A_376, %max3A_380 : vector<16x256xf32>
    %min3A_387 = arith.minimumf %max3A_376, %max3A_380 : vector<16x256xf32>
    %max3A_388 = arith.maximumf %max3A_377, %max3A_381 : vector<16x256xf32>
    %min3A_389 = arith.minimumf %max3A_377, %max3A_381 : vector<16x256xf32>
    %max3A_390 = arith.maximumf %max3A_382, %max3A_386 : vector<16x256xf32>
    %min3A_391 = arith.minimumf %max3A_382, %max3A_386 : vector<16x256xf32>
    %max3A_392 = arith.maximumf %max3A_384, %max3A_388 : vector<16x256xf32>
    %min3A_393 = arith.minimumf %max3A_384, %max3A_388 : vector<16x256xf32>
    %max3A_394 = arith.maximumf %min3A_383, %min3A_387 : vector<16x256xf32>
    %min3A_395 = arith.minimumf %min3A_383, %min3A_387 : vector<16x256xf32>
    %max3A_396 = arith.maximumf %min3A_385, %min3A_389 : vector<16x256xf32>
    %min3A_397 = arith.minimumf %min3A_385, %min3A_389 : vector<16x256xf32>
    %max3A_398 = arith.maximumf %max3A_390, %max3A_392 : vector<16x256xf32>
    %min3A_399 = arith.minimumf %max3A_390, %max3A_392 : vector<16x256xf32>
    %max3A_400 = arith.maximumf %min3A_391, %min3A_393 : vector<16x256xf32>
    %min3A_401 = arith.minimumf %min3A_391, %min3A_393 : vector<16x256xf32>
    %max3A_402 = arith.maximumf %max3A_394, %max3A_396 : vector<16x256xf32>
    %min3A_403 = arith.minimumf %max3A_394, %max3A_396 : vector<16x256xf32>
    %max3A_404 = arith.maximumf %min3A_395, %min3A_397 : vector<16x256xf32>
    %min3A_405 = arith.minimumf %min3A_395, %min3A_397 : vector<16x256xf32>
    %slice3A_406 = vector.extract_strided_slice %max3A_398 {offsets = [0, 0], sizes = [8, 256], strides = [1, 1]} : vector<16x256xf32> to vector<8x256xf32>
    %slice3A_407 = vector.extract_strided_slice %min3A_399 {offsets = [0, 0], sizes = [8, 256], strides = [1, 1]} : vector<16x256xf32> to vector<8x256xf32>
    %slice3A_408 = vector.extract_strided_slice %max3A_400 {offsets = [0, 0], sizes = [8, 256], strides = [1, 1]} : vector<16x256xf32> to vector<8x256xf32>
    %slice3A_409 = vector.extract_strided_slice %min3A_401 {offsets = [0, 0], sizes = [8, 256], strides = [1, 1]} : vector<16x256xf32> to vector<8x256xf32>
    %slice3A_410 = vector.extract_strided_slice %max3A_402 {offsets = [0, 0], sizes = [8, 256], strides = [1, 1]} : vector<16x256xf32> to vector<8x256xf32>
    %slice3A_411 = vector.extract_strided_slice %min3A_403 {offsets = [0, 0], sizes = [8, 256], strides = [1, 1]} : vector<16x256xf32> to vector<8x256xf32>
    %slice3A_412 = vector.extract_strided_slice %max3A_404 {offsets = [0, 0], sizes = [8, 256], strides = [1, 1]} : vector<16x256xf32> to vector<8x256xf32>
    %slice3A_413 = vector.extract_strided_slice %min3A_405 {offsets = [0, 0], sizes = [8, 256], strides = [1, 1]} : vector<16x256xf32> to vector<8x256xf32>
    %slice3A_414 = vector.extract_strided_slice %max3A_398 {offsets = [8, 0], sizes = [8, 256], strides = [1, 1]} : vector<16x256xf32> to vector<8x256xf32>
    %slice3A_415 = vector.extract_strided_slice %min3A_399 {offsets = [8, 0], sizes = [8, 256], strides = [1, 1]} : vector<16x256xf32> to vector<8x256xf32>
    %slice3A_416 = vector.extract_strided_slice %max3A_400 {offsets = [8, 0], sizes = [8, 256], strides = [1, 1]} : vector<16x256xf32> to vector<8x256xf32>
    %slice3A_417 = vector.extract_strided_slice %min3A_401 {offsets = [8, 0], sizes = [8, 256], strides = [1, 1]} : vector<16x256xf32> to vector<8x256xf32>
    %slice3A_418 = vector.extract_strided_slice %max3A_402 {offsets = [8, 0], sizes = [8, 256], strides = [1, 1]} : vector<16x256xf32> to vector<8x256xf32>
    %slice3A_419 = vector.extract_strided_slice %min3A_403 {offsets = [8, 0], sizes = [8, 256], strides = [1, 1]} : vector<16x256xf32> to vector<8x256xf32>
    %slice3A_420 = vector.extract_strided_slice %max3A_404 {offsets = [8, 0], sizes = [8, 256], strides = [1, 1]} : vector<16x256xf32> to vector<8x256xf32>
    %slice3A_421 = vector.extract_strided_slice %min3A_405 {offsets = [8, 0], sizes = [8, 256], strides = [1, 1]} : vector<16x256xf32> to vector<8x256xf32>
    %max3A_422 = arith.maximumf %slice3A_406, %slice3A_421 : vector<8x256xf32>
    %max3A_423 = arith.maximumf %slice3A_407, %slice3A_420 : vector<8x256xf32>
    %max3A_424 = arith.maximumf %slice3A_408, %slice3A_419 : vector<8x256xf32>
    %max3A_425 = arith.maximumf %slice3A_409, %slice3A_418 : vector<8x256xf32>
    %max3A_426 = arith.maximumf %slice3A_410, %slice3A_417 : vector<8x256xf32>
    %max3A_427 = arith.maximumf %slice3A_411, %slice3A_416 : vector<8x256xf32>
    %max3A_428 = arith.maximumf %slice3A_412, %slice3A_415 : vector<8x256xf32>
    %max3A_429 = arith.maximumf %slice3A_413, %slice3A_414 : vector<8x256xf32>
    %max3A_430 = arith.maximumf %max3A_422, %max3A_426 : vector<8x256xf32>
    %min3A_431 = arith.minimumf %max3A_422, %max3A_426 : vector<8x256xf32>
    %max3A_432 = arith.maximumf %max3A_423, %max3A_427 : vector<8x256xf32>
    %min3A_433 = arith.minimumf %max3A_423, %max3A_427 : vector<8x256xf32>
    %max3A_434 = arith.maximumf %max3A_424, %max3A_428 : vector<8x256xf32>
    %min3A_435 = arith.minimumf %max3A_424, %max3A_428 : vector<8x256xf32>
    %max3A_436 = arith.maximumf %max3A_425, %max3A_429 : vector<8x256xf32>
    %min3A_437 = arith.minimumf %max3A_425, %max3A_429 : vector<8x256xf32>
    %max3A_438 = arith.maximumf %max3A_430, %max3A_434 : vector<8x256xf32>
    %min3A_439 = arith.minimumf %max3A_430, %max3A_434 : vector<8x256xf32>
    %max3A_440 = arith.maximumf %max3A_432, %max3A_436 : vector<8x256xf32>
    %min3A_441 = arith.minimumf %max3A_432, %max3A_436 : vector<8x256xf32>
    %max3A_442 = arith.maximumf %min3A_431, %min3A_435 : vector<8x256xf32>
    %min3A_443 = arith.minimumf %min3A_431, %min3A_435 : vector<8x256xf32>
    %max3A_444 = arith.maximumf %min3A_433, %min3A_437 : vector<8x256xf32>
    %min3A_445 = arith.minimumf %min3A_433, %min3A_437 : vector<8x256xf32>
    %max3A_446 = arith.maximumf %max3A_438, %max3A_440 : vector<8x256xf32>
    %min3A_447 = arith.minimumf %max3A_438, %max3A_440 : vector<8x256xf32>
    %max3A_448 = arith.maximumf %min3A_439, %min3A_441 : vector<8x256xf32>
    %min3A_449 = arith.minimumf %min3A_439, %min3A_441 : vector<8x256xf32>
    %max3A_450 = arith.maximumf %max3A_442, %max3A_444 : vector<8x256xf32>
    %min3A_451 = arith.minimumf %max3A_442, %max3A_444 : vector<8x256xf32>
    %max3A_452 = arith.maximumf %min3A_443, %min3A_445 : vector<8x256xf32>
    %min3A_453 = arith.minimumf %min3A_443, %min3A_445 : vector<8x256xf32>
    %slice3A_454 = vector.extract_strided_slice %max3A_446 {offsets = [0, 0], sizes = [4, 256], strides = [1, 1]} : vector<8x256xf32> to vector<4x256xf32>
    %slice3A_455 = vector.extract_strided_slice %min3A_447 {offsets = [0, 0], sizes = [4, 256], strides = [1, 1]} : vector<8x256xf32> to vector<4x256xf32>
    %slice3A_456 = vector.extract_strided_slice %max3A_448 {offsets = [0, 0], sizes = [4, 256], strides = [1, 1]} : vector<8x256xf32> to vector<4x256xf32>
    %slice3A_457 = vector.extract_strided_slice %min3A_449 {offsets = [0, 0], sizes = [4, 256], strides = [1, 1]} : vector<8x256xf32> to vector<4x256xf32>
    %slice3A_458 = vector.extract_strided_slice %max3A_450 {offsets = [0, 0], sizes = [4, 256], strides = [1, 1]} : vector<8x256xf32> to vector<4x256xf32>
    %slice3A_459 = vector.extract_strided_slice %min3A_451 {offsets = [0, 0], sizes = [4, 256], strides = [1, 1]} : vector<8x256xf32> to vector<4x256xf32>
    %slice3A_460 = vector.extract_strided_slice %max3A_452 {offsets = [0, 0], sizes = [4, 256], strides = [1, 1]} : vector<8x256xf32> to vector<4x256xf32>
    %slice3A_461 = vector.extract_strided_slice %min3A_453 {offsets = [0, 0], sizes = [4, 256], strides = [1, 1]} : vector<8x256xf32> to vector<4x256xf32>
    %slice3A_462 = vector.extract_strided_slice %max3A_446 {offsets = [4, 0], sizes = [4, 256], strides = [1, 1]} : vector<8x256xf32> to vector<4x256xf32>
    %slice3A_463 = vector.extract_strided_slice %min3A_447 {offsets = [4, 0], sizes = [4, 256], strides = [1, 1]} : vector<8x256xf32> to vector<4x256xf32>
    %slice3A_464 = vector.extract_strided_slice %max3A_448 {offsets = [4, 0], sizes = [4, 256], strides = [1, 1]} : vector<8x256xf32> to vector<4x256xf32>
    %slice3A_465 = vector.extract_strided_slice %min3A_449 {offsets = [4, 0], sizes = [4, 256], strides = [1, 1]} : vector<8x256xf32> to vector<4x256xf32>
    %slice3A_466 = vector.extract_strided_slice %max3A_450 {offsets = [4, 0], sizes = [4, 256], strides = [1, 1]} : vector<8x256xf32> to vector<4x256xf32>
    %slice3A_467 = vector.extract_strided_slice %min3A_451 {offsets = [4, 0], sizes = [4, 256], strides = [1, 1]} : vector<8x256xf32> to vector<4x256xf32>
    %slice3A_468 = vector.extract_strided_slice %max3A_452 {offsets = [4, 0], sizes = [4, 256], strides = [1, 1]} : vector<8x256xf32> to vector<4x256xf32>
    %slice3A_469 = vector.extract_strided_slice %min3A_453 {offsets = [4, 0], sizes = [4, 256], strides = [1, 1]} : vector<8x256xf32> to vector<4x256xf32>
    %max3A_470 = arith.maximumf %slice3A_454, %slice3A_469 : vector<4x256xf32>
    %max3A_471 = arith.maximumf %slice3A_455, %slice3A_468 : vector<4x256xf32>
    %max3A_472 = arith.maximumf %slice3A_456, %slice3A_467 : vector<4x256xf32>
    %max3A_473 = arith.maximumf %slice3A_457, %slice3A_466 : vector<4x256xf32>
    %max3A_474 = arith.maximumf %slice3A_458, %slice3A_465 : vector<4x256xf32>
    %max3A_475 = arith.maximumf %slice3A_459, %slice3A_464 : vector<4x256xf32>
    %max3A_476 = arith.maximumf %slice3A_460, %slice3A_463 : vector<4x256xf32>
    %max3A_477 = arith.maximumf %slice3A_461, %slice3A_462 : vector<4x256xf32>
    %max3A_478 = arith.maximumf %max3A_470, %max3A_474 : vector<4x256xf32>
    %min3A_479 = arith.minimumf %max3A_470, %max3A_474 : vector<4x256xf32>
    %max3A_480 = arith.maximumf %max3A_471, %max3A_475 : vector<4x256xf32>
    %min3A_481 = arith.minimumf %max3A_471, %max3A_475 : vector<4x256xf32>
    %max3A_482 = arith.maximumf %max3A_472, %max3A_476 : vector<4x256xf32>
    %min3A_483 = arith.minimumf %max3A_472, %max3A_476 : vector<4x256xf32>
    %max3A_484 = arith.maximumf %max3A_473, %max3A_477 : vector<4x256xf32>
    %min3A_485 = arith.minimumf %max3A_473, %max3A_477 : vector<4x256xf32>
    %max3A_486 = arith.maximumf %max3A_478, %max3A_482 : vector<4x256xf32>
    %min3A_487 = arith.minimumf %max3A_478, %max3A_482 : vector<4x256xf32>
    %max3A_488 = arith.maximumf %max3A_480, %max3A_484 : vector<4x256xf32>
    %min3A_489 = arith.minimumf %max3A_480, %max3A_484 : vector<4x256xf32>
    %max3A_490 = arith.maximumf %min3A_479, %min3A_483 : vector<4x256xf32>
    %min3A_491 = arith.minimumf %min3A_479, %min3A_483 : vector<4x256xf32>
    %max3A_492 = arith.maximumf %min3A_481, %min3A_485 : vector<4x256xf32>
    %min3A_493 = arith.minimumf %min3A_481, %min3A_485 : vector<4x256xf32>
    %max3A_494 = arith.maximumf %max3A_486, %max3A_488 : vector<4x256xf32>
    %min3A_495 = arith.minimumf %max3A_486, %max3A_488 : vector<4x256xf32>
    %max3A_496 = arith.maximumf %min3A_487, %min3A_489 : vector<4x256xf32>
    %min3A_497 = arith.minimumf %min3A_487, %min3A_489 : vector<4x256xf32>
    %max3A_498 = arith.maximumf %max3A_490, %max3A_492 : vector<4x256xf32>
    %min3A_499 = arith.minimumf %max3A_490, %max3A_492 : vector<4x256xf32>
    %max3A_500 = arith.maximumf %min3A_491, %min3A_493 : vector<4x256xf32>
    %min3A_501 = arith.minimumf %min3A_491, %min3A_493 : vector<4x256xf32>
    %slice3A_502 = vector.extract_strided_slice %max3A_494 {offsets = [0, 0], sizes = [2, 256], strides = [1, 1]} : vector<4x256xf32> to vector<2x256xf32>
    %slice3A_503 = vector.extract_strided_slice %min3A_495 {offsets = [0, 0], sizes = [2, 256], strides = [1, 1]} : vector<4x256xf32> to vector<2x256xf32>
    %slice3A_504 = vector.extract_strided_slice %max3A_496 {offsets = [0, 0], sizes = [2, 256], strides = [1, 1]} : vector<4x256xf32> to vector<2x256xf32>
    %slice3A_505 = vector.extract_strided_slice %min3A_497 {offsets = [0, 0], sizes = [2, 256], strides = [1, 1]} : vector<4x256xf32> to vector<2x256xf32>
    %slice3A_506 = vector.extract_strided_slice %max3A_498 {offsets = [0, 0], sizes = [2, 256], strides = [1, 1]} : vector<4x256xf32> to vector<2x256xf32>
    %slice3A_507 = vector.extract_strided_slice %min3A_499 {offsets = [0, 0], sizes = [2, 256], strides = [1, 1]} : vector<4x256xf32> to vector<2x256xf32>
    %slice3A_508 = vector.extract_strided_slice %max3A_500 {offsets = [0, 0], sizes = [2, 256], strides = [1, 1]} : vector<4x256xf32> to vector<2x256xf32>
    %slice3A_509 = vector.extract_strided_slice %min3A_501 {offsets = [0, 0], sizes = [2, 256], strides = [1, 1]} : vector<4x256xf32> to vector<2x256xf32>
    %slice3A_510 = vector.extract_strided_slice %max3A_494 {offsets = [2, 0], sizes = [2, 256], strides = [1, 1]} : vector<4x256xf32> to vector<2x256xf32>
    %slice3A_511 = vector.extract_strided_slice %min3A_495 {offsets = [2, 0], sizes = [2, 256], strides = [1, 1]} : vector<4x256xf32> to vector<2x256xf32>
    %slice3A_512 = vector.extract_strided_slice %max3A_496 {offsets = [2, 0], sizes = [2, 256], strides = [1, 1]} : vector<4x256xf32> to vector<2x256xf32>
    %slice3A_513 = vector.extract_strided_slice %min3A_497 {offsets = [2, 0], sizes = [2, 256], strides = [1, 1]} : vector<4x256xf32> to vector<2x256xf32>
    %slice3A_514 = vector.extract_strided_slice %max3A_498 {offsets = [2, 0], sizes = [2, 256], strides = [1, 1]} : vector<4x256xf32> to vector<2x256xf32>
    %slice3A_515 = vector.extract_strided_slice %min3A_499 {offsets = [2, 0], sizes = [2, 256], strides = [1, 1]} : vector<4x256xf32> to vector<2x256xf32>
    %slice3A_516 = vector.extract_strided_slice %max3A_500 {offsets = [2, 0], sizes = [2, 256], strides = [1, 1]} : vector<4x256xf32> to vector<2x256xf32>
    %slice3A_517 = vector.extract_strided_slice %min3A_501 {offsets = [2, 0], sizes = [2, 256], strides = [1, 1]} : vector<4x256xf32> to vector<2x256xf32>
    %max3A_518 = arith.maximumf %slice3A_502, %slice3A_517 : vector<2x256xf32>
    %max3A_519 = arith.maximumf %slice3A_503, %slice3A_516 : vector<2x256xf32>
    %max3A_520 = arith.maximumf %slice3A_504, %slice3A_515 : vector<2x256xf32>
    %max3A_521 = arith.maximumf %slice3A_505, %slice3A_514 : vector<2x256xf32>
    %max3A_522 = arith.maximumf %slice3A_506, %slice3A_513 : vector<2x256xf32>
    %max3A_523 = arith.maximumf %slice3A_507, %slice3A_512 : vector<2x256xf32>
    %max3A_524 = arith.maximumf %slice3A_508, %slice3A_511 : vector<2x256xf32>
    %max3A_525 = arith.maximumf %slice3A_509, %slice3A_510 : vector<2x256xf32>
    %max3A_526 = arith.maximumf %max3A_518, %max3A_522 : vector<2x256xf32>
    %min3A_527 = arith.minimumf %max3A_518, %max3A_522 : vector<2x256xf32>
    %max3A_528 = arith.maximumf %max3A_519, %max3A_523 : vector<2x256xf32>
    %min3A_529 = arith.minimumf %max3A_519, %max3A_523 : vector<2x256xf32>
    %max3A_530 = arith.maximumf %max3A_520, %max3A_524 : vector<2x256xf32>
    %min3A_531 = arith.minimumf %max3A_520, %max3A_524 : vector<2x256xf32>
    %max3A_532 = arith.maximumf %max3A_521, %max3A_525 : vector<2x256xf32>
    %min3A_533 = arith.minimumf %max3A_521, %max3A_525 : vector<2x256xf32>
    %max3A_534 = arith.maximumf %max3A_526, %max3A_530 : vector<2x256xf32>
    %min3A_535 = arith.minimumf %max3A_526, %max3A_530 : vector<2x256xf32>
    %max3A_536 = arith.maximumf %max3A_528, %max3A_532 : vector<2x256xf32>
    %min3A_537 = arith.minimumf %max3A_528, %max3A_532 : vector<2x256xf32>
    %max3A_538 = arith.maximumf %min3A_527, %min3A_531 : vector<2x256xf32>
    %min3A_539 = arith.minimumf %min3A_527, %min3A_531 : vector<2x256xf32>
    %max3A_540 = arith.maximumf %min3A_529, %min3A_533 : vector<2x256xf32>
    %min3A_541 = arith.minimumf %min3A_529, %min3A_533 : vector<2x256xf32>
    %max3A_542 = arith.maximumf %max3A_534, %max3A_536 : vector<2x256xf32>
    %min3A_543 = arith.minimumf %max3A_534, %max3A_536 : vector<2x256xf32>
    %max3A_544 = arith.maximumf %min3A_535, %min3A_537 : vector<2x256xf32>
    %min3A_545 = arith.minimumf %min3A_535, %min3A_537 : vector<2x256xf32>
    %max3A_546 = arith.maximumf %max3A_538, %max3A_540 : vector<2x256xf32>
    %min3A_547 = arith.minimumf %max3A_538, %max3A_540 : vector<2x256xf32>
    %max3A_548 = arith.maximumf %min3A_539, %min3A_541 : vector<2x256xf32>
    %min3A_549 = arith.minimumf %min3A_539, %min3A_541 : vector<2x256xf32>
    %slice3A_550 = vector.extract_strided_slice %max3A_542 {offsets = [0, 0], sizes = [1, 256], strides = [1, 1]} : vector<2x256xf32> to vector<1x256xf32>
    %slice3A_551 = vector.extract_strided_slice %min3A_543 {offsets = [0, 0], sizes = [1, 256], strides = [1, 1]} : vector<2x256xf32> to vector<1x256xf32>
    %slice3A_552 = vector.extract_strided_slice %max3A_544 {offsets = [0, 0], sizes = [1, 256], strides = [1, 1]} : vector<2x256xf32> to vector<1x256xf32>
    %slice3A_553 = vector.extract_strided_slice %min3A_545 {offsets = [0, 0], sizes = [1, 256], strides = [1, 1]} : vector<2x256xf32> to vector<1x256xf32>
    %slice3A_554 = vector.extract_strided_slice %max3A_546 {offsets = [0, 0], sizes = [1, 256], strides = [1, 1]} : vector<2x256xf32> to vector<1x256xf32>
    %slice3A_555 = vector.extract_strided_slice %min3A_547 {offsets = [0, 0], sizes = [1, 256], strides = [1, 1]} : vector<2x256xf32> to vector<1x256xf32>
    %slice3A_556 = vector.extract_strided_slice %max3A_548 {offsets = [0, 0], sizes = [1, 256], strides = [1, 1]} : vector<2x256xf32> to vector<1x256xf32>
    %slice3A_557 = vector.extract_strided_slice %min3A_549 {offsets = [0, 0], sizes = [1, 256], strides = [1, 1]} : vector<2x256xf32> to vector<1x256xf32>
    %slice3A_558 = vector.extract_strided_slice %max3A_542 {offsets = [1, 0], sizes = [1, 256], strides = [1, 1]} : vector<2x256xf32> to vector<1x256xf32>
    %slice3A_559 = vector.extract_strided_slice %min3A_543 {offsets = [1, 0], sizes = [1, 256], strides = [1, 1]} : vector<2x256xf32> to vector<1x256xf32>
    %slice3A_560 = vector.extract_strided_slice %max3A_544 {offsets = [1, 0], sizes = [1, 256], strides = [1, 1]} : vector<2x256xf32> to vector<1x256xf32>
    %slice3A_561 = vector.extract_strided_slice %min3A_545 {offsets = [1, 0], sizes = [1, 256], strides = [1, 1]} : vector<2x256xf32> to vector<1x256xf32>
    %slice3A_562 = vector.extract_strided_slice %max3A_546 {offsets = [1, 0], sizes = [1, 256], strides = [1, 1]} : vector<2x256xf32> to vector<1x256xf32>
    %slice3A_563 = vector.extract_strided_slice %min3A_547 {offsets = [1, 0], sizes = [1, 256], strides = [1, 1]} : vector<2x256xf32> to vector<1x256xf32>
    %slice3A_564 = vector.extract_strided_slice %max3A_548 {offsets = [1, 0], sizes = [1, 256], strides = [1, 1]} : vector<2x256xf32> to vector<1x256xf32>
    %slice3A_565 = vector.extract_strided_slice %min3A_549 {offsets = [1, 0], sizes = [1, 256], strides = [1, 1]} : vector<2x256xf32> to vector<1x256xf32>
    %max3A_566 = arith.maximumf %slice3A_550, %slice3A_565 : vector<1x256xf32>
    %max3A_567 = arith.maximumf %slice3A_551, %slice3A_564 : vector<1x256xf32>
    %max3A_568 = arith.maximumf %slice3A_552, %slice3A_563 : vector<1x256xf32>
    %max3A_569 = arith.maximumf %slice3A_553, %slice3A_562 : vector<1x256xf32>
    %max3A_570 = arith.maximumf %slice3A_554, %slice3A_561 : vector<1x256xf32>
    %max3A_571 = arith.maximumf %slice3A_555, %slice3A_560 : vector<1x256xf32>
    %max3A_572 = arith.maximumf %slice3A_556, %slice3A_559 : vector<1x256xf32>
    %max3A_573 = arith.maximumf %slice3A_557, %slice3A_558 : vector<1x256xf32>
    %max3A_574 = arith.maximumf %max3A_566, %max3A_570 : vector<1x256xf32>
    %min3A_575 = arith.minimumf %max3A_566, %max3A_570 : vector<1x256xf32>
    %max3A_576 = arith.maximumf %max3A_567, %max3A_571 : vector<1x256xf32>
    %min3A_577 = arith.minimumf %max3A_567, %max3A_571 : vector<1x256xf32>
    %max3A_578 = arith.maximumf %max3A_568, %max3A_572 : vector<1x256xf32>
    %min3A_579 = arith.minimumf %max3A_568, %max3A_572 : vector<1x256xf32>
    %max3A_580 = arith.maximumf %max3A_569, %max3A_573 : vector<1x256xf32>
    %min3A_581 = arith.minimumf %max3A_569, %max3A_573 : vector<1x256xf32>
    %max3A_582 = arith.maximumf %max3A_574, %max3A_578 : vector<1x256xf32>
    %min3A_583 = arith.minimumf %max3A_574, %max3A_578 : vector<1x256xf32>
    %max3A_584 = arith.maximumf %max3A_576, %max3A_580 : vector<1x256xf32>
    %min3A_585 = arith.minimumf %max3A_576, %max3A_580 : vector<1x256xf32>
    %max3A_586 = arith.maximumf %min3A_575, %min3A_579 : vector<1x256xf32>
    %min3A_587 = arith.minimumf %min3A_575, %min3A_579 : vector<1x256xf32>
    %max3A_588 = arith.maximumf %min3A_577, %min3A_581 : vector<1x256xf32>
    %min3A_589 = arith.minimumf %min3A_577, %min3A_581 : vector<1x256xf32>
    %max3A_590 = arith.maximumf %max3A_582, %max3A_584 : vector<1x256xf32>
    %min3A_591 = arith.minimumf %max3A_582, %max3A_584 : vector<1x256xf32>
    %max3A_592 = arith.maximumf %min3A_583, %min3A_585 : vector<1x256xf32>
    %min3A_593 = arith.minimumf %min3A_583, %min3A_585 : vector<1x256xf32>
    %max3A_594 = arith.maximumf %max3A_586, %max3A_588 : vector<1x256xf32>
    %min3A_595 = arith.minimumf %max3A_586, %max3A_588 : vector<1x256xf32>
    %max3A_596 = arith.maximumf %min3A_587, %min3A_589 : vector<1x256xf32>
    %min3A_597 = arith.minimumf %min3A_587, %min3A_589 : vector<1x256xf32>
    %concatenate3A = tpu.concatenate %max3A_590, %min3A_591, %max3A_592, %min3A_593, %max3A_594, %min3A_595, %max3A_596, %min3A_597 in 0 : vector<1x256xf32>, vector<1x256xf32>, vector<1x256xf32>, vector<1x256xf32>, vector<1x256xf32>, vector<1x256xf32>, vector<1x256xf32>, vector<1x256xf32> -> vector<8x256xf32>
    %bitcast_convert_type3A_598 = tpu.bitcast %concatenate3A : vector<8x256xf32> -> vector<8x256xi32>
    %and3A_599 = arith.constant -16384 : i32
    %and3A_600 = vector.broadcast %and3A_599 : i32 to vector<8x256xi32>
    %and3A_601 = arith.andi %bitcast_convert_type3A_598, %and3A_600 : vector<8x256xi32>
    %bitcast_convert_type3A_602 = tpu.bitcast %and3A_601 : vector<8x256xi32> -> vector<8x256xf32>
    %sub3A = arith.constant 5.000000e-01 : f32
    %sub3A_603 = vector.broadcast %sub3A : f32 to vector<8x256xf32>
    %sub3A_604 = arith.subf %bitcast_convert_type3A_602, %sub3A_603 : vector<8x256xf32>
    %swap3A = arith.constant 0 : index
    %swap3A_605 = arith.constant 0 : index
    %swap3A_606 = arith.constant 0 : index
    %swap3A_607 = vector.load %arg5[%swap3A, %swap3A_605, %swap3A_606] : memref<1x8x256xf32, #tpu.memory_space<vmem>>, vector<1x8x256xf32>
    %swap3A_608 = vector.shape_cast %swap3A_607 : vector<1x8x256xf32> to vector<8x256xf32>
    %swap3A_609 = vector.shape_cast %sub3A_604 : vector<8x256xf32> to vector<1x8x256xf32>
    tpu.vector_store %arg5[%swap3A, %swap3A_605, %swap3A_606], %swap3A_609 {strides = array<i32>} : memref<1x8x256xf32, #tpu.memory_space<vmem>>, vector<1x8x256xf32>,
    %and3A_610 = arith.constant 16383 : i32
    %and3A_611 = vector.broadcast %and3A_610 : i32 to vector<8x256xi32>
    %and3A_612 = arith.andi %bitcast_convert_type3A_598, %and3A_611 : vector<8x256xi32>
    %add3A_613 = arith.constant 0 : i32
    %add3A_614 = arith.addi %arg0, %add3A_613 : i32
    %mul3A_615 = arith.constant 16384 : i32
    %mul3A_616 = arith.muli %add3A_614, %mul3A_615 : i32
    %add3A_617 = vector.broadcast %mul3A_616 : i32 to vector<8x256xi32>
    %add3A_618 = arith.addi %and3A_612, %add3A_617 : vector<8x256xi32>
    %swap3A_619 = arith.constant 0 : index
    %swap3A_620 = arith.constant 0 : index
    %swap3A_621 = arith.constant 0 : index
    %swap3A_622 = vector.load %arg6[%swap3A_619, %swap3A_620, %swap3A_621] : memref<1x8x256xi32, #tpu.memory_space<vmem>>, vector<1x8x256xi32>
    %swap3A_623 = vector.shape_cast %swap3A_622 : vector<1x8x256xi32> to vector<8x256xi32>
    %swap3A_624 = vector.shape_cast %add3A_618 : vector<8x256xi32> to vector<1x8x256xi32>
    tpu.vector_store %arg6[%swap3A_619, %swap3A_620, %swap3A_621], %swap3A_624 {strides = array<i32>} : memref<1x8x256xi32, #tpu.memory_space<vmem>>, vector<1x8x256xi32>,
    return
  }
  func.func @transform_0(%arg0: i32, %arg1: i32, %arg2: i32) -> (i32, i32, i32) {
    %c0_i32 = arith.constant 0 : i32
    %c0_i32_0 = arith.constant 0 : i32
    return %arg0, %arg1, %c0_i32 : i32, i32, i32
  }
  func.func @transform_1(%arg0: i32, %arg1: i32, %arg2: i32) -> (i32, i32, i32) {
    %c0_i32 = arith.constant 0 : i32
    %c0_i32_0 = arith.constant 0 : i32
    return %arg0, %arg2, %c0_i32 : i32, i32, i32
  }
  func.func @transform_2(%arg0: i32, %arg1: i32, %arg2: i32) -> (i32, i32, i32) {
    %c0_i32 = arith.constant 0 : i32
    %c0_i32_0 = arith.constant 0 : i32
    return %arg0, %c0_i32, %arg1 : i32, i32, i32
  }
  func.func @transform_3(%arg0: i32, %arg1: i32, %arg2: i32) -> (i32, i32, i32) {
    %c0_i32 = arith.constant 0 : i32
    %c0_i32_0 = arith.constant 0 : i32
    return %arg0, %c0_i32, %arg1 : i32, i32, i32
  }
}

module attributes {stable_mosaic.version = 14 : i64} {
  func.func @_combine_body(%arg0: i32, %arg1: i32, %arg2: memref<16x1xf32, #tpu.memory_space<smem>>, %arg3: memref<1x512x8xf32, #tpu.memory_space<vmem>>, %arg4: memref<1x8x512x64xf32, #tpu.memory_space<vmem>>, %arg5: memref<1x512x64xf32, #tpu.memory_space<vmem>>, %arg6: memref<1x512x64xf32, #tpu.memory_space<vmem>>) attributes {dimension_semantics = [#tpu.dimension_semantics<arbitrary>, #tpu.dimension_semantics<arbitrary>], iteration_bounds = array<i64: 16, 8>, scalar_prefetch = 0 : i64, scratch_operands = 0 : i64, tpu.core_type = #tpu.core_type<tc>, window_params = [{transform_indices = @transform_0, window_bounds = array<i64: 16, 1>}, {transform_indices = @transform_1, window_bounds = array<i64: 1, 512, 8>}, {transform_indices = @transform_2, window_bounds = array<i64: 1, 8, 512, 64>}, {transform_indices = @transform_3, window_bounds = array<i64: 1, 512, 64>}, {transform_indices = @transform_4, window_bounds = array<i64: 1, 512, 64>}]} {
    %get3A = arith.index_cast %arg0 : i32 to index
    %get3A_0 = arith.constant 0 : index
    %get3A_1 = memref.load %arg2[%get3A, %get3A_0] : memref<16x1xf32, #tpu.memory_space<smem>>
    %neg3A = arith.constant 0.000000e+00 : f32
    %neg3A_2 = arith.subf %neg3A, %get3A_1 : f32
    %exp3A = math.exp %neg3A_2 : f32
    %add3A = arith.constant 1.000000e+00 : f32
    %add3A_3 = arith.addf %add3A, %exp3A : f32
    %div3A = arith.constant 1.000000e+00 : f32
    %div3A_4 = arith.divf %div3A, %add3A_3 : f32
    %broadcast_in_dim3A = arith.constant 0.000000e+00 : f32
    %broadcast_in_dim3A_5 = vector.broadcast %broadcast_in_dim3A : f32 to vector<512x64xf32>
    %get3A_6 = arith.constant 0 : index
    %get3A_7 = arith.constant 0 : index
    %get3A_8 = arith.constant 0 : index
    %get3A_9 = arith.constant 0 : index
    %get3A_10 = vector.load %arg4[%get3A_6, %get3A_7, %get3A_8, %get3A_9] : memref<1x8x512x64xf32, #tpu.memory_space<vmem>>, vector<1x1x512x64xf32>
    %get3A_11 = vector.shape_cast %get3A_10 : vector<1x1x512x64xf32> to vector<512x64xf32>
    %get3A_12 = arith.constant 0 : index
    %get3A_13 = arith.constant 0 : index
    %get3A_14 = arith.constant 0 : index
    %get3A_15 = vector.load %arg3[%get3A_12, %get3A_13, %get3A_14] : memref<1x512x8xf32, #tpu.memory_space<vmem>>, vector<1x512x1xf32>
    %get3A_16 = vector.shape_cast %get3A_15 : vector<1x512x1xf32> to vector<512x1xf32>
    %mul3A = vector.broadcast %get3A_16 : vector<512x1xf32> to vector<512x64xf32>
    %mul3A_17 = arith.mulf %get3A_11, %mul3A : vector<512x64xf32>
    %add3A_18 = arith.addf %broadcast_in_dim3A_5, %mul3A_17 : vector<512x64xf32>
    %get3A_19 = arith.constant 0 : index
    %get3A_20 = arith.constant 1 : index
    %get3A_21 = arith.constant 0 : index
    %get3A_22 = arith.constant 0 : index
    %get3A_23 = vector.load %arg4[%get3A_19, %get3A_20, %get3A_21, %get3A_22] : memref<1x8x512x64xf32, #tpu.memory_space<vmem>>, vector<1x1x512x64xf32>
    %get3A_24 = vector.shape_cast %get3A_23 : vector<1x1x512x64xf32> to vector<512x64xf32>
    %get3A_25 = arith.constant 0 : index
    %get3A_26 = arith.constant 0 : index
    %get3A_27 = arith.constant 1 : index
    %get3A_28 = vector.load %arg3[%get3A_25, %get3A_26, %get3A_27] : memref<1x512x8xf32, #tpu.memory_space<vmem>>, vector<1x512x1xf32>
    %get3A_29 = vector.shape_cast %get3A_28 : vector<1x512x1xf32> to vector<512x1xf32>
    %mul3A_30 = vector.broadcast %get3A_29 : vector<512x1xf32> to vector<512x64xf32>
    %mul3A_31 = arith.mulf %get3A_24, %mul3A_30 : vector<512x64xf32>
    %add3A_32 = arith.addf %add3A_18, %mul3A_31 : vector<512x64xf32>
    %get3A_33 = arith.constant 0 : index
    %get3A_34 = arith.constant 2 : index
    %get3A_35 = arith.constant 0 : index
    %get3A_36 = arith.constant 0 : index
    %get3A_37 = vector.load %arg4[%get3A_33, %get3A_34, %get3A_35, %get3A_36] : memref<1x8x512x64xf32, #tpu.memory_space<vmem>>, vector<1x1x512x64xf32>
    %get3A_38 = vector.shape_cast %get3A_37 : vector<1x1x512x64xf32> to vector<512x64xf32>
    %get3A_39 = arith.constant 0 : index
    %get3A_40 = arith.constant 0 : index
    %get3A_41 = arith.constant 2 : index
    %get3A_42 = vector.load %arg3[%get3A_39, %get3A_40, %get3A_41] : memref<1x512x8xf32, #tpu.memory_space<vmem>>, vector<1x512x1xf32>
    %get3A_43 = vector.shape_cast %get3A_42 : vector<1x512x1xf32> to vector<512x1xf32>
    %mul3A_44 = vector.broadcast %get3A_43 : vector<512x1xf32> to vector<512x64xf32>
    %mul3A_45 = arith.mulf %get3A_38, %mul3A_44 : vector<512x64xf32>
    %add3A_46 = arith.addf %add3A_32, %mul3A_45 : vector<512x64xf32>
    %get3A_47 = arith.constant 0 : index
    %get3A_48 = arith.constant 3 : index
    %get3A_49 = arith.constant 0 : index
    %get3A_50 = arith.constant 0 : index
    %get3A_51 = vector.load %arg4[%get3A_47, %get3A_48, %get3A_49, %get3A_50] : memref<1x8x512x64xf32, #tpu.memory_space<vmem>>, vector<1x1x512x64xf32>
    %get3A_52 = vector.shape_cast %get3A_51 : vector<1x1x512x64xf32> to vector<512x64xf32>
    %get3A_53 = arith.constant 0 : index
    %get3A_54 = arith.constant 0 : index
    %get3A_55 = arith.constant 3 : index
    %get3A_56 = vector.load %arg3[%get3A_53, %get3A_54, %get3A_55] : memref<1x512x8xf32, #tpu.memory_space<vmem>>, vector<1x512x1xf32>
    %get3A_57 = vector.shape_cast %get3A_56 : vector<1x512x1xf32> to vector<512x1xf32>
    %mul3A_58 = vector.broadcast %get3A_57 : vector<512x1xf32> to vector<512x64xf32>
    %mul3A_59 = arith.mulf %get3A_52, %mul3A_58 : vector<512x64xf32>
    %add3A_60 = arith.addf %add3A_46, %mul3A_59 : vector<512x64xf32>
    %get3A_61 = arith.constant 0 : index
    %get3A_62 = arith.constant 4 : index
    %get3A_63 = arith.constant 0 : index
    %get3A_64 = arith.constant 0 : index
    %get3A_65 = vector.load %arg4[%get3A_61, %get3A_62, %get3A_63, %get3A_64] : memref<1x8x512x64xf32, #tpu.memory_space<vmem>>, vector<1x1x512x64xf32>
    %get3A_66 = vector.shape_cast %get3A_65 : vector<1x1x512x64xf32> to vector<512x64xf32>
    %get3A_67 = arith.constant 0 : index
    %get3A_68 = arith.constant 0 : index
    %get3A_69 = arith.constant 4 : index
    %get3A_70 = vector.load %arg3[%get3A_67, %get3A_68, %get3A_69] : memref<1x512x8xf32, #tpu.memory_space<vmem>>, vector<1x512x1xf32>
    %get3A_71 = vector.shape_cast %get3A_70 : vector<1x512x1xf32> to vector<512x1xf32>
    %mul3A_72 = vector.broadcast %get3A_71 : vector<512x1xf32> to vector<512x64xf32>
    %mul3A_73 = arith.mulf %get3A_66, %mul3A_72 : vector<512x64xf32>
    %add3A_74 = arith.addf %add3A_60, %mul3A_73 : vector<512x64xf32>
    %get3A_75 = arith.constant 0 : index
    %get3A_76 = arith.constant 5 : index
    %get3A_77 = arith.constant 0 : index
    %get3A_78 = arith.constant 0 : index
    %get3A_79 = vector.load %arg4[%get3A_75, %get3A_76, %get3A_77, %get3A_78] : memref<1x8x512x64xf32, #tpu.memory_space<vmem>>, vector<1x1x512x64xf32>
    %get3A_80 = vector.shape_cast %get3A_79 : vector<1x1x512x64xf32> to vector<512x64xf32>
    %get3A_81 = arith.constant 0 : index
    %get3A_82 = arith.constant 0 : index
    %get3A_83 = arith.constant 5 : index
    %get3A_84 = vector.load %arg3[%get3A_81, %get3A_82, %get3A_83] : memref<1x512x8xf32, #tpu.memory_space<vmem>>, vector<1x512x1xf32>
    %get3A_85 = vector.shape_cast %get3A_84 : vector<1x512x1xf32> to vector<512x1xf32>
    %mul3A_86 = vector.broadcast %get3A_85 : vector<512x1xf32> to vector<512x64xf32>
    %mul3A_87 = arith.mulf %get3A_80, %mul3A_86 : vector<512x64xf32>
    %add3A_88 = arith.addf %add3A_74, %mul3A_87 : vector<512x64xf32>
    %get3A_89 = arith.constant 0 : index
    %get3A_90 = arith.constant 6 : index
    %get3A_91 = arith.constant 0 : index
    %get3A_92 = arith.constant 0 : index
    %get3A_93 = vector.load %arg4[%get3A_89, %get3A_90, %get3A_91, %get3A_92] : memref<1x8x512x64xf32, #tpu.memory_space<vmem>>, vector<1x1x512x64xf32>
    %get3A_94 = vector.shape_cast %get3A_93 : vector<1x1x512x64xf32> to vector<512x64xf32>
    %get3A_95 = arith.constant 0 : index
    %get3A_96 = arith.constant 0 : index
    %get3A_97 = arith.constant 6 : index
    %get3A_98 = vector.load %arg3[%get3A_95, %get3A_96, %get3A_97] : memref<1x512x8xf32, #tpu.memory_space<vmem>>, vector<1x512x1xf32>
    %get3A_99 = vector.shape_cast %get3A_98 : vector<1x512x1xf32> to vector<512x1xf32>
    %mul3A_100 = vector.broadcast %get3A_99 : vector<512x1xf32> to vector<512x64xf32>
    %mul3A_101 = arith.mulf %get3A_94, %mul3A_100 : vector<512x64xf32>
    %add3A_102 = arith.addf %add3A_88, %mul3A_101 : vector<512x64xf32>
    %get3A_103 = arith.constant 0 : index
    %get3A_104 = arith.constant 7 : index
    %get3A_105 = arith.constant 0 : index
    %get3A_106 = arith.constant 0 : index
    %get3A_107 = vector.load %arg4[%get3A_103, %get3A_104, %get3A_105, %get3A_106] : memref<1x8x512x64xf32, #tpu.memory_space<vmem>>, vector<1x1x512x64xf32>
    %get3A_108 = vector.shape_cast %get3A_107 : vector<1x1x512x64xf32> to vector<512x64xf32>
    %get3A_109 = arith.constant 0 : index
    %get3A_110 = arith.constant 0 : index
    %get3A_111 = arith.constant 7 : index
    %get3A_112 = vector.load %arg3[%get3A_109, %get3A_110, %get3A_111] : memref<1x512x8xf32, #tpu.memory_space<vmem>>, vector<1x512x1xf32>
    %get3A_113 = vector.shape_cast %get3A_112 : vector<1x512x1xf32> to vector<512x1xf32>
    %mul3A_114 = vector.broadcast %get3A_113 : vector<512x1xf32> to vector<512x64xf32>
    %mul3A_115 = arith.mulf %get3A_108, %mul3A_114 : vector<512x64xf32>
    %add3A_116 = arith.addf %add3A_102, %mul3A_115 : vector<512x64xf32>
    %mul3A_117 = vector.broadcast %div3A_4 : f32 to vector<512x64xf32>
    %mul3A_118 = arith.mulf %mul3A_117, %add3A_116 : vector<512x64xf32>
    %sub3A = arith.constant 1.000000e+00 : f32
    %sub3A_119 = arith.subf %sub3A, %div3A_4 : f32
    %get3A_120 = arith.constant 0 : index
    %get3A_121 = arith.constant 0 : index
    %get3A_122 = arith.constant 0 : index
    %get3A_123 = vector.load %arg5[%get3A_120, %get3A_121, %get3A_122] : memref<1x512x64xf32, #tpu.memory_space<vmem>>, vector<1x512x64xf32>
    %get3A_124 = vector.shape_cast %get3A_123 : vector<1x512x64xf32> to vector<512x64xf32>
    %mul3A_125 = vector.broadcast %sub3A_119 : f32 to vector<512x64xf32>
    %mul3A_126 = arith.mulf %mul3A_125, %get3A_124 : vector<512x64xf32>
    %add3A_127 = arith.addf %mul3A_118, %mul3A_126 : vector<512x64xf32>
    %swap3A = arith.constant 0 : index
    %swap3A_128 = arith.constant 0 : index
    %swap3A_129 = arith.constant 0 : index
    %swap3A_130 = vector.load %arg6[%swap3A, %swap3A_128, %swap3A_129] : memref<1x512x64xf32, #tpu.memory_space<vmem>>, vector<1x512x64xf32>
    %swap3A_131 = vector.shape_cast %swap3A_130 : vector<1x512x64xf32> to vector<512x64xf32>
    %swap3A_132 = vector.shape_cast %add3A_127 : vector<512x64xf32> to vector<1x512x64xf32>
    tpu.vector_store %arg6[%swap3A, %swap3A_128, %swap3A_129], %swap3A_132 {strides = array<i32>} : memref<1x512x64xf32, #tpu.memory_space<vmem>>, vector<1x512x64xf32>,
    return
  }
  func.func @transform_0(%arg0: i32, %arg1: i32) -> (i32, i32) {
    %c0_i32 = arith.constant 0 : i32
    %c0_i32_0 = arith.constant 0 : i32
    %c0_i32_1 = arith.constant 0 : i32
    return %c0_i32, %c0_i32_0 : i32, i32
  }
  func.func @transform_1(%arg0: i32, %arg1: i32) -> (i32, i32, i32) {
    %c0_i32 = arith.constant 0 : i32
    %c0_i32_0 = arith.constant 0 : i32
    return %arg0, %arg1, %c0_i32 : i32, i32, i32
  }
  func.func @transform_2(%arg0: i32, %arg1: i32) -> (i32, i32, i32, i32) {
    %c0_i32 = arith.constant 0 : i32
    %c0_i32_0 = arith.constant 0 : i32
    %c0_i32_1 = arith.constant 0 : i32
    return %arg0, %c0_i32, %arg1, %c0_i32_0 : i32, i32, i32, i32
  }
  func.func @transform_3(%arg0: i32, %arg1: i32) -> (i32, i32, i32) {
    %c0_i32 = arith.constant 0 : i32
    %c0_i32_0 = arith.constant 0 : i32
    return %arg0, %arg1, %c0_i32 : i32, i32, i32
  }
  func.func @transform_4(%arg0: i32, %arg1: i32) -> (i32, i32, i32) {
    %c0_i32 = arith.constant 0 : i32
    %c0_i32_0 = arith.constant 0 : i32
    return %arg0, %arg1, %c0_i32 : i32, i32, i32
  }
}

</mosaic_0001>

<sc_bundles>
// kernel: kernel.6.cloned.1.call-start
scs
__scs_entry_jumppad:
0x0: {  	(pc) =	sbr.rel $0x88, $3  }
0x1: {  	(tag) =	ssettag $0x0;
	lr =	simm.s32 $0x1  }
0x2: {  	[smem:$0x3F9C] =	sst lr;
	_ =	strace $0xD0000000  }
0x3: {  	_ = 	snop  }
0x4: {  	_ = 	snop  }
0x5: {  	_ = 	snop  }
0x6: {  	_ = 	snop  }
0x7: {  	_ = 	snop  }
__scs_overlays_trampoline_lowered:
0x8: {  	[smem:$0x3FAB] =	sst s0  }
0x9: {  	[smem:$0x3FAC] =	sst s1  }
0xa: {  	[smem:$0x3FAD] =	sst s2  }
0xb: {  	[smem:$0x3FAE] =	sst s3  }
0xc: {  	[smem:$0x3FAF] =	sst s4  }
0xd: {  	[smem:$0x3FB0] =	sst s5  }
0xe: {  	[smem:$0x3FB1] =	sst s6  }
0xf: {  	[smem:$0x3FB2] =	sst s7  }
0x10: {  	[smem:$0x3FB3] =	sst s8  }
0x11: {  	[smem:$0x3FB4] =	sst s9;
	s0 =	simm.s32 @!p0 $0x0  }
0x12: {  	s1 =	sld [smem:$0x3F9A];
	s0 =	simm.s32 @p0 $0x1  }
0x13: {  	[smem:$0x3FB5] =	sst s0;
	s0 =	simm.s32 @!p1 $0x0  }
0x14: {  	s2 =	sld [smem:$0x3F99];
	s0 =	simm.s32 @p1 $0x1  }
0x15: {  	[smem:$0x3FB6] =	sst s0;
	s0 =	simm.s32 @!p2 $0x0  }
0x16: {  	s3 =	sld [smem:$0x3FDB];
	s0 =	simm.s32 @p2 $0x1  }
0x17: {  	s4 =	simm.s32 $0x1BF5;
	[smem:$0x3FB8] =	sst s0  }
0x18: {  	s0 =	sld [smem:$0x3F9B];
	_ =	swait.ge [sflag:s4], $0x0  }
0x19: {  	s7 =	sld [smem:$0x3F9C]  }
0x1a: {  	s8 =	sadd.s32 $0xFFFFE003, lr  }
0x1b: {  	s9 =	sadd.s32 $0xFFFFFEF7, lr;
	s5 =	simm.s32 $0xFFFFFFFF;
	p2 =	slt.u32 s8, $0xFFFFF086  }
0x1c: {  	p1 =	slt.u32 s9, $0xF7A;
	s5 =	simm.s32 @!p2 $0x0  }
0x1d: {  	s5 =	simm.s32 @p1 $0x1;
	p0 =	seq.s32 s7, s2  }
0x1e: {  	s7 =	smul.u32 @!p0 $0xF7A, s2;
	p2 =	seq.s32 @!p0 s5, $0x0  }
0x1f: {  	s9 =	smul.u32 $0xF7A, s1;
	s8 =	simm.s32 @!p0 $0x1BF5;
	p2 =	por !p2, p0  }
0x20: {  	[sflag:s8] =	ssyncset.s32 @!p0 $0xFFFFF086;
	s6 =	sadd.s32 @!p0 s3, s7;
	s7 =	simm.s32 @!p0 $0x108  }
0x21: {  	s3 =	sadd.s32 s3, s9;
	s6 =	sadd.s32 @!p0 $0x88, s6;
	s7 =	simm.s32 @p2 $0x1082  }
0x22: {  	[simem:s7], [sflag:s8] =	dma.local @!p0 [hbm:s6], $0xF7A  }
0x23: {  	s9 =	sor.u32 $0xD0000000, s2;
	s6 =	simm.s32 $0x108;
	_ =	swait.ge @!p0 [sflag:s8], $0x0  }
0x24: {  	s3 =	sadd.s32 $0x88, s3;
	s6 =	simm.s32 @!p1 $0x1082;
	[sflag:s4] =	ssyncset.s32 $0xFFFFF086  }
0x25: {  	[simem:s6], [sflag:s4] =	dma.local [hbm:s3], $0xF7A  }
0x26: {  	[smem:$0x3F9C] =	sst s1;
	(tag) =	ssettag s2;
	_ =	strace s9  }
0x27: {  	s1 =	sld [smem:$0x3FAC]  }
0x28: {  	s2 =	sld [smem:$0x3FAD]  }
0x29: {  	s4 =	sld [smem:$0x3FAF]  }
0x2a: {  	p0 =	seq.s32 s5, $0x0;
	s5 =	sld [smem:$0x3FB0]  }
0x2b: {  	s6 =	sld [smem:$0x3FB1]  }
0x2c: {  	s7 =	sld [smem:$0x3FB2]  }
0x2d: {  	s3 =	simm.s32 $0x108;
	s8 =	sld [smem:$0x3FB3]  }
0x2e: {  	s3 =	simm.s32 @!p0 $0x1082;
	s9 =	sld [smem:$0x3FB4]  }
0x2f: {  	lr =	sadd.s32 s0, s3;
	s0 =	sld [smem:$0x3FAB]  }
0x30: {  	s3 =	sld [smem:$0x3FAE]  }
0x31: {  	[smem:$0x3FB7] =	sst s10  }
0x32: {  	s10 =	sld [smem:$0x3FB5];
	_ =	sdelay $0x3  }
0x33: {  	p0 =	seq.s32 s10, $0x1;
	s10 =	sld [smem:$0x3FB7];
	_ =	sdelay $0x3  }
0x34: {  	[smem:$0x3FB7] =	sst s10  }
0x35: {  	s10 =	sld [smem:$0x3FB6];
	_ =	sdelay $0x3  }
0x36: {  	p1 =	seq.s32 s10, $0x1;
	s10 =	sld [smem:$0x3FB7];
	_ =	sdelay $0x3  }
0x37: {  	[smem:$0x3FB7] =	sst s10  }
0x38: {  	s10 =	sld [smem:$0x3FB8]  }
0x39: {  	_ = 	snop;
	(pc) =	sbr.ind lr, $3  }
0x3a: {  	_ = 	snop  }
0x3b: {  	_ = 	snop  }
0x3c: {  	p2 =	seq.s32 s10, $0x1;
	s10 =	sld [smem:$0x3FB7]  }
0x3d: {  	_ =	shalt  }
0x3e: {  	_ =	shalt  }
0x3f: {  	_ =	shalt  }
0x40: {  	_ =	shalt  }
0x41: {  	_ =	shalt  }
0x42: {  	_ =	shalt  }
0x43: {  	_ =	shalt  }
0x44: {  	_ =	shalt  }
0x45: {  	_ =	shalt  }
0x46: {  	_ =	shalt  }
0x47: {  	_ =	shalt  }
0x48: {  	_ =	shalt  }
0x49: {  	_ =	shalt  }
0x4a: {  	_ =	shalt  }
0x4b: {  	_ =	shalt  }
0x4c: {  	_ =	shalt  }
0x4d: {  	_ =	shalt  }
0x4e: {  	_ =	shalt  }
0x4f: {  	_ =	shalt  }
0x50: {  	_ =	shalt  }
0x51: {  	_ =	shalt  }
0x52: {  	_ =	shalt  }
0x53: {  	_ =	shalt  }
0x54: {  	_ =	shalt  }
0x55: {  	_ =	shalt  }
0x56: {  	_ =	shalt  }
0x57: {  	_ =	shalt  }
0x58: {  	_ =	shalt  }
0x59: {  	_ =	shalt  }
0x5a: {  	_ =	shalt  }
0x5b: {  	_ =	shalt  }
0x5c: {  	_ =	shalt  }
0x5d: {  	_ =	shalt  }
0x5e: {  	_ =	shalt  }
0x5f: {  	_ =	shalt  }
0x60: {  	_ =	shalt  }
0x61: {  	_ =	shalt  }
0x62: {  	_ =	shalt  }
0x63: {  	_ =	shalt  }
0x64: {  	_ =	shalt  }
0x65: {  	_ =	shalt  }
0x66: {  	_ =	shalt  }
0x67: {  	_ =	shalt  }
0x68: {  	_ =	shalt  }
0x69: {  	_ =	shalt  }
0x6a: {  	_ =	shalt  }
0x6b: {  	_ =	shalt  }
0x6c: {  	_ =	shalt  }
0x6d: {  	_ =	shalt  }
0x6e: {  	_ =	shalt  }
0x6f: {  	_ =	shalt  }
0x70: {  	_ =	shalt  }
0x71: {  	_ =	shalt  }
0x72: {  	_ =	shalt  }
0x73: {  	_ =	shalt  }
0x74: {  	_ =	shalt  }
0x75: {  	_ =	shalt  }
0x76: {  	_ =	shalt  }
0x77: {  	_ =	shalt  }
0x78: {  	_ =	shalt  }
0x79: {  	_ =	shalt  }
0x7a: {  	_ =	shalt  }
0x7b: {  	_ =	shalt  }
0x7c: {  	_ =	shalt  }
0x7d: {  	_ =	shalt  }
0x7e: {  	_ =	shalt  }
0x7f: {  	_ =	shalt  }
0x80: {  	_ =	shalt  }
0x81: {  	_ =	shalt  }
0x82: {  	_ =	shalt  }
0x83: {  	_ =	shalt  }
0x84: {  	_ =	shalt  }
0x85: {  	_ =	shalt  }
0x86: {  	_ =	shalt  }
0x87: {  	_ =	shalt  }
.Lfunc_end0:
.L_simem_size_0:
called_computation_lowered:
.L_overlay_start_0:
0x88: {  	s2 =	sld [smem:$0x3FD9]  }
0x89: {  	s3 =	sld [smem:$0x3FFE];
	_ =	sdelay $0x1  }
0x8a: {  	s1 =	srdreg.scid  }
0x8b: {  	s0 =	sand.u32 $0x1, s1  }
0x8c: {  	s16 =	sshll.u32 s0, $0xA;
	s2 =	sadd.s32 s3, s2  }
0x8d: {  	s2 =	sadd.s32 s2, s16  }
0x8e: {  	[smem:$0x3FC3] =	sst s2  }
0x8f: {  	_ = 	snop  }
0x90: {  	(tm) =	ssettm $0x1  }
0x91: {  	s17 =	sld [smem:$0x3FFB];
	_ =	sdelay $0x3  }
0x92: {  	_ =	strace s17  }
0x93: {  	s2 =	sld [smem:$0x3FFC];
	_ =	sdelay $0x3  }
0x94: {  	_ =	strace s2  }
0x95: {  	s2 =	sld [smem:$0x3FFD];
	_ =	sdelay $0x3  }
0x96: {  	_ =	strace s2  }
0x97: {  	_ =	strace $0x8FFFFFFF  }
0x98: {  	s18 =	sld [smem:$0x3FDB];
	_ =	sdelay $0x1  }
0x99: {  	s19 =	simm.s32 $_scs_section_size  }
0x9a: {  	s4 =	simm.s32 $_size__tile_overlayer_lowered;
	s5 =	simm.s32 $_tile_overlayer_lowered  }
0x9b: {  	s22 =	simm.s32 $0x1BFF;
	s21 =	sshll.u32 s5, $0x1;
	s2 =	sadd.s32 s19, s18  }
0x9c: {  	s6 =	simm.s32 $0x0;
	s20 =	sshll.u32 s4, $0x1;
	s4 =	sadd.s32 s21, s2  }
0x9d: {  	[timem:s6], [sflag:s22] =	dma.local [hbm:s4], s20  }
0x9e: {  	_ =	swait.ge [sflag:s22], s20  }
0x9f: {  	s3 =	ssub.s32 $0x0, s20;
	[sflag:s22] =	ssyncset.done $0x0  }
0xa0: {  	[sflag:s22] =	ssyncadd.s32 s3;
	_ =	sdelay $0x1  }
0xa1: {  	s23 =	simm.s32 $0x1B8B  }
0xa2: {  	_ =	swait.ge [sflag:s23], $0x1  }
0xa3: {  	[sflag:s23] =	ssyncset.done $0x0  }
0xa4: {  	s25 =	simm.s32 $0x1B8E;
	s24 =	sld [smem:$0x3FFE];
	[sflag:s23] =	ssyncadd.s32 $0xFFFFFFFF  }
0xa5: {  	s26 =	simm.s32 $execute0_lowered;
	[smem:$0x3FD2] =	sst s25  }
0xa6: {  	s4 =	sshll.u32 s26, $0x1;
	_ =	strace $0x80000046;
	[dreg:$0x1] =	wrdreg $0xFFFFFFFF  }
0xa7: {  	s28 =	simm.s32 $_size_execute0_lowered;
	s2 =	sadd.s32 s2, s4;
	[dreg:$0x0] =	wrdreg $0x0  }
0xa8: {  	s4 =	sshll.u32 s28, $0x1;
	[dreg:$0x2] =	wrdreg s2  }
0xa9: {  	[dreg:$0x3] =	wrdreg s4  }
0xaa: {  	[dreg:$0x4] =	wrdreg $0xC0  }
0xab: {  	_ =	task [dreg:s6], $0x5FFFF  }
0xac: {  	[dreg:$0x1] =	wrdreg $0xFFFFFFFF  }
0xad: {  	[dreg:$0x0] =	wrdreg $0x60  }
0xae: {  	[dreg:$0x2] =	wrdreg s24  }
0xaf: {  	[dreg:$0x3] =	wrdreg $0x9  }
0xb0: {  	_ =	task.clear_ibuf [dreg:s6], $0x4FFFF;
	_ =	strace $0x90000046  }
0xb1: {  	s29 =	simm.s32 $0x9;
	_ =	strace $0x80000048  }
0xb2: {  	_ =	swait.ge [sflag:s29], $0x1  }
0xb3: {  	[sflag:s29] =	ssyncadd.s32 $0xFFFFFFFF  }
0xb4: {  	_ =	strace $0x90000048  }
0xb5: {  	_ =	sfence  }
0xb6: {  	s30 =	sld [smem:$0x0];
	_ =	sdelay $0x2  }
0xb7: {  	s31 =	sshll.u32 s1, $0xD;
	s1 =	sshrl.u32 s1, $0x2  }
0xb8: {  	s3 =	sand.u32 $0x4000, s31;
	s1 =	sadd.s32 s1, s30  }
0xb9: {  	s0 =	sor.u32 s3, s0;
	s1 =	sshll.u32 s1, $0x11  }
0xba: {  	s0 =	sor.u32 s1, s0  }
0xbb: {  	s0 =	sadd.s32 $0x8F2B, s0  }
0xbc: {  	[sflag:s0] =	ssyncadd.remote.s32 $0x1  }
0xbd: {  	_ =	sfence.sel $0xFFFF  }
0xbe: {  	[dreg:$0x0] =	wrdreg $0xFFFFFFFF;
	(pc) =	sbr.abs _section_cstart, $3  }
0xbf: {  	[dreg:$0x1] =	wrdreg $0xFFFFFFFF  }
0xc0: {  	_ =	task.clear_ibuf [dreg:s6], $0x2FFFF;
	_ =	strace $0x9FFFFFFF  }
0xc1: {  	(tm) =	ssettm $0x7FFFFFFF  }
tec
execute0_lowered:
.L_overlay_start_1:
0x0: {  	(tag) =	ssettag $0x1  }
0x1: {  	s4 =	rddreg [dreg:$0x0]  }
0x2: {  	s0 =	rddreg [dreg:$0x1]  }
0x3: {  	s3 =	srdreg.scid;
	s1 =	stileid.u32;
	s2 =	simm.s32 $0x0  }
0x4: {  	s12 =	simm.s32 $0x6000;
	s13 =	simm.s32 $0x1;
	s14 =	simm.s32 $0x2  }
0x5: {  	s15 =	simm.s32 $0x3F80;
	s16 =	simm.s32 $0x0;
	s8 =	sand.u32 $0x1, s3  }
0x6: {  	s30 =	sshll.u32 s1, $0x1;
	[smem:$0x7FF] =	sst s2;
	s3 =	sadd.s32 $0x412C00, s4  }
0x7: {  	s9 =	sadd.s32 $0x12C00, s4;
	s11 =	sshll.u32 s1, $0x12;
	s5 =	sor.u32 s8, s30  }
0x8: {  	_ =	strace $0x80000047;
	s7 =	ssub.s32 $0x2, s8;
	s8 =	sshll.u32 s8, $0x11  }
0x9: {  	s6 =	sshll.u32 s5, $0xB;
	s31 =	sshrl.u32 s7, $0x1;
	s5 =	sshll.u32 s5, $0x11  }
0xa: {  	s6 =	sadd.s32 s6, s4;
	s7 =	ssub.s32 s7, s31;
	s10 =	sadd.s32 s5, s9  }
0xb: {  	s9 =	sadd.s32 s11, s9;
	s11 =	simm.s32 $0x4000;
	s4 =	sadd.s32 $0x2C00, s6  }
0xc: {  	s5 =	smax.u32 s7, $0x1;
	s6 =	sadd.s32 $0x1F800, s10;
	s7 =	sadd.s32 $0x1FC00, s10  }
0xd: {  	s8 =	sadd.s32 s8, s9;
	s9 =	simm.s32 $0x3;
	s10 =	simm.s32 $0x80  }
.LBB2_1:
0xe: {  	[tilespmem:s2], [sflag:$0x3] =	stream.linear.gather [hbm4b:s4+s2], $0x4000, $0x38;
	[tilespmem:$0x8000] =	vst v63  }
0xf: {  	_ =	swait.ge [sflag:s9], $0x4000  }
0x10: {  	[sflag:s9] =	ssyncset.done $0x0  }
0x11: {  	[sflag:s9] =	ssyncadd.s32 $0xFFFFC000  }
0x12: {  	[tilespmem:s11], [sflag:$0x1] =	stream.indirect.gather [hbm4b:s3+s10], $0x40, s2, s10, $0xb8;
	[tilespmem:$0x8000] =	vst v63  }
0x13: {  	s17 =	simm.s32 $0x80  }
0x14: {  	[tilespmem:s12], [sflag:$0x2] =	stream.indirect.gather [hbm4b:s3+s10], $0x40, s17, s10, $0xb8;
	[tilespmem:$0x8000] =	vst v63  }
0x15: {  	_ =	swait.ge [sflag:s13], $0x2000  }
0x16: {  	[sflag:s13] =	ssyncset.done $0x0  }
0x17: {  	s31 =	sadd.s32 $0x0, s8;
	[sflag:s13] =	ssyncadd.s32 $0xFFFFE000  }
0x18: {  	[hbm4b:s31+s2] =	stream.linear.scatter [tilespmem:s11], [sflag:$0x3], $0x2000, $0x38;
	[tilespmem:$0x8000] =	vst v63  }
0x19: {  	_ =	swait.ge [sflag:s9], $0x2000  }
0x1a: {  	[sflag:s9] =	ssyncset.done $0x0  }
0x1b: {  	s18 =	simm.s32 $0x100;
	[sflag:s9] =	ssyncadd.s32 $0xFFFFE000  }
0x1c: {  	[tilespmem:s11], [sflag:$0x1] =	stream.indirect.gather [hbm4b:s3+s10], $0x40, s18, s10, $0xb8;
	[tilespmem:$0x8000] =	vst v63  }
0x1d: {  	_ =	swait.ge [sflag:s14], $0x2000  }
0x1e: {  	[sflag:s14] =	ssyncset.done $0x0  }
0x1f: {  	s17 =	sadd.s32 $0x400, s31;
	[sflag:s14] =	ssyncadd.s32 $0xFFFFE000  }
0x20: {  	[hbm4b:s17+s2] =	stream.linear.scatter [tilespmem:s12], [sflag:$0x3], $0x2000, $0x38;
	[tilespmem:$0x8000] =	vst v63  }
0x21: {  	s19 =	simm.s32 $0x1000;
	_ =	swait.ge [sflag:s9], $0x2000  }
0x22: {  	s18 =	simm.s32 $0x800;
	s17 =	simm.s32 $0x200;
	[sflag:s9] =	ssyncset.done $0x0  }
.LBB2_2:
0x23: {  	p0 =	sne.s32 s19, $0x1F000;
	s20 =	sadd.s32 $0xFFFFFF80, s17;
	[sflag:s9] =	ssyncadd.s32 $0xFFFFE000  }
0x24: {  	[tilespmem:s12], [sflag:$0x2] =	stream.indirect.gather [hbm4b:s3+s10], $0x40, s20, s10, $0xb8;
	[tilespmem:$0x8000] =	vst v63  }
0x25: {  	s20 =	smov.u32 s19;
	s19 =	sadd.s32 $0x800, s19;
	_ =	swait.ge [sflag:s13], $0x2000  }
0x26: {  	[sflag:s13] =	ssyncset.done $0x0  }
0x27: {  	s21 =	sadd.s32 s18, s8;
	s18 =	smov.u32 s20;
	[sflag:s13] =	ssyncadd.s32 $0xFFFFE000  }
0x28: {  	[hbm4b:s21+s2] =	stream.linear.scatter [tilespmem:s11], [sflag:$0x3], $0x2000, $0x38;
	[tilespmem:$0x8000] =	vst v63  }
0x29: {  	_ =	swait.ge [sflag:s9], $0x2000  }
0x2a: {  	[sflag:s9] =	ssyncset.done $0x0  }
0x2b: {  	[sflag:s9] =	ssyncadd.s32 $0xFFFFE000  }
0x2c: {  	[tilespmem:s11], [sflag:$0x1] =	stream.indirect.gather [hbm4b:s3+s10], $0x40, s17, s10, $0xb8;
	[tilespmem:$0x8000] =	vst v63  }
0x2d: {  	_ =	swait.ge [sflag:s14], $0x2000  }
.Ltmp0:
0x2e: {  	[sflag:s14] =	ssyncset.done $0x0;
	(pc) =	sbr.rel @p0 .LBB2_2-.Ltmp0, $4  }
0x2f: {  	s20 =	sadd.s32 $0x400, s21;
	[sflag:s14] =	ssyncadd.s32 $0xFFFFE000  }
0x30: {  	[hbm4b:s20+s2] =	stream.linear.scatter [tilespmem:s12], [sflag:$0x3], $0x2000, $0x38;
	[tilespmem:$0x8000] =	vst v63  }
0x31: {  	_ =	swait.ge [sflag:s9], $0x2000  }
0x32: {  	s17 =	sadd.s32 $0x100, s17;
	[sflag:s9] =	ssyncset.done $0x0  }
0x33: {  	s19 =	sadd.s32 $0xFFFFFF80, s17;
	[sflag:s9] =	ssyncadd.s32 $0xFFFFE000  }
0x34: {  	[tilespmem:s12], [sflag:$0x2] =	stream.indirect.gather [hbm4b:s3+s10], $0x40, s19, s10, $0xb8;
	[tilespmem:$0x8000] =	vst v63  }
0x35: {  	_ =	swait.ge [sflag:s13], $0x2000  }
0x36: {  	[sflag:s13] =	ssyncset.done $0x0  }
0x37: {  	s18 =	sadd.s32 s18, s8;
	[sflag:s13] =	ssyncadd.s32 $0xFFFFE000  }
0x38: {  	[hbm4b:s18+s2] =	stream.linear.scatter [tilespmem:s11], [sflag:$0x3], $0x2000, $0x38;
	[tilespmem:$0x8000] =	vst v63  }
0x39: {  	_ =	swait.ge [sflag:s9], $0x2000  }
0x3a: {  	[sflag:s9] =	ssyncset.done $0x0  }
0x3b: {  	[sflag:s9] =	ssyncadd.s32 $0xFFFFE000  }
0x3c: {  	[tilespmem:s11], [sflag:$0x1] =	stream.indirect.gather [hbm4b:s3+s10], $0x40, s17, s10, $0xb8;
	[tilespmem:$0x8000] =	vst v63  }
0x3d: {  	_ =	swait.ge [sflag:s14], $0x2000  }
0x3e: {  	[sflag:s14] =	ssyncset.done $0x0  }
0x3f: {  	s31 =	sadd.s32 $0x400, s18;
	[sflag:s14] =	ssyncadd.s32 $0xFFFFE000  }
0x40: {  	[hbm4b:s31+s2] =	stream.linear.scatter [tilespmem:s12], [sflag:$0x3], $0x2000, $0x38;
	[tilespmem:$0x8000] =	vst v63  }
0x41: {  	_ =	swait.ge [sflag:s9], $0x2000  }
0x42: {  	[sflag:s9] =	ssyncset.done $0x0  }
0x43: {  	[sflag:s9] =	ssyncadd.s32 $0xFFFFE000  }
0x44: {  	[tilespmem:s12], [sflag:$0x2] =	stream.indirect.gather [hbm4b:s3+s10], $0x40, s15, s10, $0xb8;
	[tilespmem:$0x8000] =	vst v63  }
0x45: {  	_ =	swait.ge [sflag:s13], $0x2000  }
0x46: {  	[sflag:s13] =	ssyncset.done $0x0  }
0x47: {  	[sflag:s13] =	ssyncadd.s32 $0xFFFFE000  }
0x48: {  	[hbm4b:s6+s2] =	stream.linear.scatter [tilespmem:s11], [sflag:$0x3], $0x2000, $0x38;
	[tilespmem:$0x8000] =	vst v63  }
0x49: {  	_ =	swait.ge [sflag:s9], $0x2000  }
0x4a: {  	[sflag:s9] =	ssyncset.done $0x0  }
0x4b: {  	[sflag:s9] =	ssyncadd.s32 $0xFFFFE000  }
0x4c: {  	s16 =	sadd.s32 $0x1, s16;
	_ =	swait.ge [sflag:s14], $0x2000  }
0x4d: {  	p0 =	sne.s32 s16, s5;
	[sflag:s14] =	ssyncset.done $0x0  }
.Ltmp1:
0x4e: {  	[sflag:s14] =	ssyncadd.s32 $0xFFFFE000;
	(pc) =	sbr.rel @p0 .LBB2_1-.Ltmp1, $4  }
0x4f: {  	[hbm4b:s7+s2] =	stream.linear.scatter [tilespmem:s12], [sflag:$0x3], $0x2000, $0x38;
	[tilespmem:$0x8000] =	vst v63  }
0x50: {  	_ =	swait.ge [sflag:s9], $0x2000  }
0x51: {  	[sflag:s9] =	ssyncset.done $0x0  }
0x52: {  	[sflag:s9] =	ssyncadd.s32 $0xFFFFE000  }
0x53: {  	_ =	sfence.sel $0x180000  }
0x54: {  	[bflag:$0x0] =	sbarrier.arrive $0xFFFF  }
0x55: {  	p0 =	sne.s32 s1, $0x0;
	_ =	strace $0x90000047  }
0x56: {  	s0 =	sadd.s32 @!p0 $0x100000, s0;
	[bflag:$0x2] =	sbarrier.arrive $0xFFFF  }
0x57: {  	[sflag:s0] =	ssyncadd.tile.s32 @!p0 $0x1;
	_ =	shalt  }
.Lfunc_end2:
_tile_overlayer_lowered:
.L_overlay_start_2:
0x58: {  	(tag) =	ssettag $0x2  }
0x59: {  	s0 =	rddreg [dreg:$0x0];
	s2 =	stileid.u32  }
0x5a: {  	s1 =	rddreg [dreg:$0x1];
	p0 =	sne.s32 s2, $0x0  }
0x5b: {  	s3 =	rddreg [dreg:$0x2];
	[bflag:$0x3] =	sbarrier.arrive $0xFFFF;
	s2 =	simm.s32 @!p0 $0x1C03  }
0x5c: {  	[timem:s3], [sflag:s2] =	dma.local @!p0 [hbm:s0], s1  }
0x5d: {  	s0 =	simm.s32 @!p0 $0x3  }
0x5e: {  	_ =	swait.ge @!p0 [sflag:s0], s1  }
0x5f: {  	s1 =	ssub.s32 @!p0 $0x0, s1;
	[sflag:s0] =	ssyncset.done @!p0 $0x0  }
0x60: {  	[sflag:s0] =	ssyncadd.s32 @!p0 s1  }
0x61: {  	[bflag:$0x3] =	sbarrier.arrive $0xFFFF  }
0x62: {  	_ =	shalt  }

</sc_bundles>
